<compile_context>
chip_gen: v7x
topology: tpu7x:2x2x1
jax: 0.10.2.dev20260603
libtpu: 0.0.44.dev20260713+nightly
codegen_flags: <defaults>
</compile_context>

<pallas_src>
import functools

import jax
import jax.numpy as jnp
from jax import lax
from jax.experimental import pallas as pl
from jax.experimental.pallas import tpu as pltpu
from jax.experimental.pallas import tpu_sc as plsc

N_BOXES = 20000
IOU_THRESHOLD = 0.5
MAX_OUT = 100

NUM_TILES = 16
N_PAD = 20480
PER_TILE = N_PAD // NUM_TILES
CHUNKS = PER_TILE // 16
NEG = float("-inf")
MAXI = 2**31 - 1
NEGBITS = -8388608
OUT_LANES = 16
OUT_FLAT = MAX_OUT * OUT_LANES
RES_BASE = 4 * NUM_TILES
STAMP_SLOT = RES_BASE + 4
CNT_SLOT = RES_BASE + 5
MBOX_LEN = RES_BASE + 6


def _fused_pass(bx1f, by1f, bx2f, by2f, scv, arv, base, wx1, wy1, wx2, wy2,
                war, first):
    lane = lax.iota(jnp.int32, 16)

    def chunk(j, carry):
        vm, vi = carry
        off = pl.multiple_of(j * 16, 16)
        gsl = pl.ds(base + off, 16)
        sl = pl.ds(off, 16)
        x1 = bx1f[gsl]
        y1 = by1f[gsl]
        x2 = bx2f[gsl]
        y2 = by2f[gsl]
        sc = scv[sl]
        if first:
            ar = (x2 - x1) * (y2 - y1)
            arv[sl] = ar
        else:
            ar = arv[sl]
        xx1 = jnp.maximum(wx1, x1)
        yy1 = jnp.maximum(wy1, y1)
        xx2 = jnp.minimum(wx2, x2)
        yy2 = jnp.minimum(wy2, y2)
        w = jnp.maximum(xx2 - xx1, jnp.float32(0.0))
        h = jnp.maximum(yy2 - yy1, jnp.float32(0.0))
        inter = w * h
        iou = inter / (war + ar - inter + jnp.float32(1e-9))
        ns = jnp.where(iou > jnp.float32(IOU_THRESHOLD), jnp.float32(NEG), sc)
        scv[sl] = ns
        gidx = base + off + lane
        cond = ns > vm
        vm = jnp.where(cond, ns, vm)
        vi = jnp.where(cond, gidx, vi)
        return vm, vi

    vm0 = jnp.full((16,), NEG, jnp.float32)
    vi0 = jnp.full((16,), base, jnp.int32)
    return plsc.parallel_loop(0, CHUNKS, unroll=4, carry=(vm0, vi0))(chunk)


def _nms_body(x1h, y1h, x2h, y2h, sch, outh,
              bx1f, by1f, bx2f, by2f, scv, arv, outv, mbox):
    wid = lax.axis_index("s")
    is_writer = wid == 0
    base = wid * PER_TILE
    lane = lax.iota(jnp.int32, 16)
    zero = jnp.float32(0.0)

    pltpu.sync_copy(x1h, bx1f)
    pltpu.sync_copy(y1h, by1f)
    pltpu.sync_copy(x2h, bx2f)
    pltpu.sync_copy(y2h, by2f)
    pltpu.sync_copy(sch.at[pl.ds(base, PER_TILE)], scv)

    for j in range(MBOX_LEN):
        mbox[j] = jnp.int32(0)
    plsc.subcore_barrier()

    vm, vi = _fused_pass(bx1f, by1f, bx2f, by2f, scv, arv, base,
                         zero, zero, zero, zero, zero, first=True)

    def round_body(i, carry):
        vm, vi, ps0, pi0, ps1, pi1 = carry
        vm_bits = plsc.bitcast(vm, jnp.int32)
        lmax_bits = jnp.max(vm_bits)
        lidx = jnp.min(jnp.where(vm_bits == lmax_bits, vi, MAXI))

        bank = jnp.equal(lax.rem(i, 2), 0)
        prev_s = jnp.where(bank, ps0, ps1)
        prev_i = jnp.where(bank, pi0, pi1)
        obank = jnp.where(bank, 0, 2 * NUM_TILES)
        tile0 = jnp.int32(0)
        plsc.fetch_and_add(mbox.at[obank + 2 * wid], lmax_bits - prev_s,
                           subcore_id=tile0)
        plsc.fetch_and_add(mbox.at[obank + 2 * wid + 1], lidx - prev_i,
                           subcore_id=tile0)
        ps0 = jnp.where(bank, lmax_bits, ps0)
        pi0 = jnp.where(bank, lidx, pi0)
        ps1 = jnp.where(bank, ps1, lmax_bits)
        pi1 = jnp.where(bank, pi1, lidx)
        plsc.subcore_barrier()

        rslot = jnp.where(bank, RES_BASE, RES_BASE + 2)

        @pl.when(is_writer)
        def _():
            cs = mbox[obank]
            ci = mbox[obank + 1]
            for t in range(1, NUM_TILES):
                s_t = mbox[obank + 2 * t]
                i_t = mbox[obank + 2 * t + 1]
                take = jnp.logical_or(
                    s_t > cs, jnp.logical_and(s_t == cs, i_t < ci))
                cs = jnp.where(take, s_t, cs)
                ci = jnp.where(take, i_t, ci)
            mbox[rslot] = cs
            mbox[rslot + 1] = ci

        plsc.subcore_barrier()
        bs = plsc.fetch_and_add(mbox.at[rslot], jnp.int32(0), subcore_id=tile0)
        bi = plsc.fetch_and_add(mbox.at[rslot + 1], jnp.int32(0),
                                subcore_id=tile0)
        alive = bs != NEGBITS

        gidxv = jnp.full((16,), bi, jnp.int32)
        wx1 = plsc.load_gather(bx1f, [gidxv])
        wy1 = plsc.load_gather(by1f, [gidxv])
        wx2 = plsc.load_gather(bx2f, [gidxv])
        wy2 = plsc.load_gather(by2f, [gidxv])
        war = (wx2 - wx1) * (wy2 - wy1)

        m_vec = plsc.bitcast(jnp.full((16,), bs, jnp.int32), jnp.float32)

        @pl.when(is_writer)
        def _():
            row = jnp.where(lane == 0, wx1,
                  jnp.where(lane == 1, wy1,
                  jnp.where(lane == 2, wx2,
                  jnp.where(lane == 3, wy2,
                  jnp.where(lane == 4, m_vec, zero)))))
            row = jnp.where(alive, row, zero)
            off = pl.multiple_of(i * OUT_LANES, OUT_LANES)
            outv[pl.ds(off, OUT_LANES)] = row

        vm, vi = _fused_pass(bx1f, by1f, bx2f, by2f, scv, arv, base,
                             wx1, wy1, wx2, wy2, war, first=False)
        return vm, vi, ps0, pi0, ps1, pi1

    zi = jnp.int32(0)
    lax.fori_loop(0, MAX_OUT, round_body, (vm, vi, zi, zi, zi, zi))

    @pl.when(is_writer)
    def _():
        pltpu.sync_copy(outv, outh)


@functools.partial(
    pl.kernel,
    out_type=jax.ShapeDtypeStruct((OUT_FLAT,), jnp.float32),
    mesh=plsc.VectorSubcoreMesh(core_axis_name="c", subcore_axis_name="s",
                                num_cores=1, num_subcores=NUM_TILES),
    compiler_params=pltpu.CompilerParams(needs_layout_passes=False),
    scratch_types=[
        pltpu.VMEM((N_PAD,), jnp.float32),
        pltpu.VMEM((N_PAD,), jnp.float32),
        pltpu.VMEM((N_PAD,), jnp.float32),
        pltpu.VMEM((N_PAD,), jnp.float32),
        pltpu.VMEM((PER_TILE,), jnp.float32),
        pltpu.VMEM((PER_TILE,), jnp.float32),
        pltpu.VMEM((OUT_FLAT,), jnp.float32),
        pltpu.SMEM((MBOX_LEN,), jnp.int32),
    ],
)
def _nms_sc(x1h, y1h, x2h, y2h, sch, outh, *scratch):
    _nms_body(x1h, y1h, x2h, y2h, sch, outh, *scratch)


@jax.jit
def kernel(boxes, scores):
    pad = N_PAD - N_BOXES
    x1 = jnp.pad(boxes[:, 0], (0, pad))
    y1 = jnp.pad(boxes[:, 1], (0, pad))
    x2 = jnp.pad(boxes[:, 2], (0, pad))
    y2 = jnp.pad(boxes[:, 3], (0, pad))
    sc = jnp.pad(scores, (0, pad), constant_values=-jnp.inf)
    out_flat = _nms_sc(x1, y1, x2, y2, sc)
    return out_flat.reshape(MAX_OUT, OUT_LANES)[:, :5]

# --- scband reference (transcript-rebuilt; emitter-appended) ---
"""Pipeline reference for scband-network-32444182954388 (READ-ONLY COPY).

The authoritative reference and input builder live on the scoring server;
editing this copy changes nothing except your own understanding.
"""

import jax, jax.numpy as jnp
import numpy as np

N_BOXES = 20000
IOU_THRESHOLD = 0.5
MAX_OUT = 100


def setup_inputs(seed: int = 0) -> dict:
    key = jax.random.key(seed)
    k1, k2 = jax.random.split(key)
    raw = jax.random.uniform(k1, (N_BOXES, 4), dtype=jnp.float32) * 1024.0
    x1 = jnp.minimum(raw[:, 0], raw[:, 2])
    x2 = jnp.maximum(raw[:, 0], raw[:, 2])
    y1 = jnp.minimum(raw[:, 1], raw[:, 3])
    y2 = jnp.maximum(raw[:, 1], raw[:, 3])
    boxes = jnp.stack([x1, y1, x2, y2], axis=1)
    scores = jax.random.uniform(k2, (N_BOXES,), dtype=jnp.float32)
    return {"boxes": boxes, "scores": scores}


def reference(boxes, scores):
    # Greedy NMS: repeatedly select the highest-scoring surviving box and
    # suppress all boxes whose IoU with it exceeds IOU_THRESHOLD.
    N = boxes.shape[0]
    areas = (boxes[:, 2] - boxes[:, 0]) * (boxes[:, 3] - boxes[:, 1])
    valid = jnp.ones((N,), dtype=bool)
    sel_boxes = []
    sel_scores = []
    neg_inf = jnp.float32(-jnp.inf)
    for _ in range(MAX_OUT):
        masked = jnp.where(valid, scores, neg_inf)
        idx = jnp.argmax(masked)
        alive = masked[idx] > neg_inf
        b = boxes[idx]
        s = scores[idx]
        sel_boxes.append(jnp.where(alive, b, jnp.zeros_like(b)))
        sel_scores.append(jnp.where(alive, s, jnp.zeros_like(s)))
        xx1 = jnp.maximum(b[0], boxes[:, 0])
        yy1 = jnp.maximum(b[1], boxes[:, 1])
        xx2 = jnp.minimum(b[2], boxes[:, 2])
        yy2 = jnp.minimum(b[3], boxes[:, 3])
        w = jnp.maximum(xx2 - xx1, 0.0)
        h = jnp.maximum(yy2 - yy1, 0.0)
        inter = w * h
        iou = inter / (areas[idx] + areas - inter + 1e-9)
        valid = valid & (iou <= IOU_THRESHOLD)
    out = jnp.concatenate(
        [jnp.stack(sel_boxes, axis=0), jnp.stack(sel_scores, axis=0)[:, None]],
        axis=1,
    )
    return out

if __name__ == "__main__":
    import jax
    _d = setup_inputs()
    print(jax.jit(kernel)(*tuple(_d.values())))

</pallas_src>

<mosaic_0001>
#map = affine_map<(d0, d1) -> (0)>
module attributes {stable_mosaic.version = 14 : i64} {
  func.func @_nms_sc(%arg0: i32, %arg1: i32, %arg2: memref<20480xf32, #tpu.memory_space<hbm>>, %arg3: memref<20480xf32, #tpu.memory_space<hbm>>, %arg4: memref<20480xf32, #tpu.memory_space<hbm>>, %arg5: memref<20480xf32, #tpu.memory_space<hbm>>, %arg6: memref<20480xf32, #tpu.memory_space<hbm>>, %arg7: memref<1600xf32, #tpu.memory_space<hbm>>, %arg8: memref<20480xf32, #tpu.memory_space<vmem>>, %arg9: memref<20480xf32, #tpu.memory_space<vmem>>, %arg10: memref<20480xf32, #tpu.memory_space<vmem>>, %arg11: memref<20480xf32, #tpu.memory_space<vmem>>, %arg12: memref<1280xf32, #tpu.memory_space<vmem>>, %arg13: memref<1280xf32, #tpu.memory_space<vmem>>, %arg14: memref<1600xf32, #tpu.memory_space<vmem>>, %arg15: memref<70xi32, #tpu.memory_space<smem>>) attributes {dimension_semantics = [#tpu.dimension_semantics<core_parallel>, #tpu.dimension_semantics<subcore_parallel>], iteration_bounds = array<i64: 1, 16>, scalar_prefetch = 0 : i64, scratch_operands = 8 : i64, tpu.core_type = #tpu.core_type<sc_vector_subcore>, window_params = [{transform_indices = #map}, {transform_indices = #map}, {transform_indices = #map}, {transform_indices = #map}, {transform_indices = #map}, {transform_indices = #map}]} {
    %eq3A = arith.constant 0 : i32
    %eq3A_0 = arith.cmpi eq, %arg1, %eq3A : i32
    %mul3A = arith.constant 1280 : i32
    %mul3A_1 = arith.muli %arg1, %mul3A : i32
    %iota3A = tpu.iota {dimensions = array<i32: 0>} : vector<16xi32>
    "tpu.region"() ({
      %run_scoped3A = tpu.sem_alloc : memref<!tpu.dma_semaphore, #tpu.memory_space<semaphore_mem>>
      tpu.enqueue_dma source(%arg2 : memref<20480xf32, #tpu.memory_space<hbm>>) target(%arg8 : memref<20480xf32, #tpu.memory_space<vmem>>) target_semaphore(%run_scoped3A : memref<!tpu.dma_semaphore, #tpu.memory_space<semaphore_mem>>)
      tpu.wait_dma2 semaphore(%run_scoped3A : memref<!tpu.dma_semaphore, #tpu.memory_space<semaphore_mem>>) src(%arg2 : memref<20480xf32, #tpu.memory_space<hbm>>) dst(%arg8 : memref<20480xf32, #tpu.memory_space<vmem>>)
      tpu.yield
    }) : () -> ()
    "tpu.region"() ({
      %run_scoped3A = tpu.sem_alloc : memref<!tpu.dma_semaphore, #tpu.memory_space<semaphore_mem>>
      tpu.enqueue_dma source(%arg3 : memref<20480xf32, #tpu.memory_space<hbm>>) target(%arg9 : memref<20480xf32, #tpu.memory_space<vmem>>) target_semaphore(%run_scoped3A : memref<!tpu.dma_semaphore, #tpu.memory_space<semaphore_mem>>)
      tpu.wait_dma2 semaphore(%run_scoped3A : memref<!tpu.dma_semaphore, #tpu.memory_space<semaphore_mem>>) src(%arg3 : memref<20480xf32, #tpu.memory_space<hbm>>) dst(%arg9 : memref<20480xf32, #tpu.memory_space<vmem>>)
      tpu.yield
    }) : () -> ()
    "tpu.region"() ({
      %run_scoped3A = tpu.sem_alloc : memref<!tpu.dma_semaphore, #tpu.memory_space<semaphore_mem>>
      tpu.enqueue_dma source(%arg4 : memref<20480xf32, #tpu.memory_space<hbm>>) target(%arg10 : memref<20480xf32, #tpu.memory_space<vmem>>) target_semaphore(%run_scoped3A : memref<!tpu.dma_semaphore, #tpu.memory_space<semaphore_mem>>)
      tpu.wait_dma2 semaphore(%run_scoped3A : memref<!tpu.dma_semaphore, #tpu.memory_space<semaphore_mem>>) src(%arg4 : memref<20480xf32, #tpu.memory_space<hbm>>) dst(%arg10 : memref<20480xf32, #tpu.memory_space<vmem>>)
      tpu.yield
    }) : () -> ()
    "tpu.region"() ({
      %run_scoped3A = tpu.sem_alloc : memref<!tpu.dma_semaphore, #tpu.memory_space<semaphore_mem>>
      tpu.enqueue_dma source(%arg5 : memref<20480xf32, #tpu.memory_space<hbm>>) target(%arg11 : memref<20480xf32, #tpu.memory_space<vmem>>) target_semaphore(%run_scoped3A : memref<!tpu.dma_semaphore, #tpu.memory_space<semaphore_mem>>)
      tpu.wait_dma2 semaphore(%run_scoped3A : memref<!tpu.dma_semaphore, #tpu.memory_space<semaphore_mem>>) src(%arg5 : memref<20480xf32, #tpu.memory_space<hbm>>) dst(%arg11 : memref<20480xf32, #tpu.memory_space<vmem>>)
      tpu.yield
    }) : () -> ()
    "tpu.region"() ({
      %run_scoped3A = tpu.sem_alloc : memref<!tpu.dma_semaphore, #tpu.memory_space<semaphore_mem>>
      %dma_start3A = tpu.memref_slice %arg6[%mul3A_1] : memref<20480xf32, #tpu.memory_space<hbm>> -> memref<1280xf32, #tpu.memory_space<hbm>>
      %dma_start3A_299 = tpu.memref_slice %arg6[%mul3A_1] : memref<20480xf32, #tpu.memory_space<hbm>> -> memref<1280xf32, #tpu.memory_space<hbm>>
      tpu.enqueue_dma source(%dma_start3A_299 : memref<1280xf32, #tpu.memory_space<hbm>>) target(%arg12 : memref<1280xf32, #tpu.memory_space<vmem>>) target_semaphore(%run_scoped3A : memref<!tpu.dma_semaphore, #tpu.memory_space<semaphore_mem>>)
      %dma_wait3A = tpu.memref_slice %arg6[%mul3A_1] : memref<20480xf32, #tpu.memory_space<hbm>> -> memref<1280xf32, #tpu.memory_space<hbm>>
      %dma_wait3A_300 = tpu.memref_slice %arg6[%mul3A_1] : memref<20480xf32, #tpu.memory_space<hbm>> -> memref<1280xf32, #tpu.memory_space<hbm>>
      tpu.wait_dma2 semaphore(%run_scoped3A : memref<!tpu.dma_semaphore, #tpu.memory_space<semaphore_mem>>) src(%dma_wait3A_300 : memref<1280xf32, #tpu.memory_space<hbm>>) dst(%arg12 : memref<1280xf32, #tpu.memory_space<vmem>>)
      tpu.yield
    }) : () -> ()
    %swap3A = arith.constant 0 : i32
    %swap3A_2 = arith.constant 0 : i32
    %swap3A_3 = arith.index_cast %swap3A_2 : i32 to index
    %swap3A_4 = memref.load %arg15[%swap3A_3] : memref<70xi32, #tpu.memory_space<smem>>
    memref.store %swap3A, %arg15[%swap3A_3] : memref<70xi32, #tpu.memory_space<smem>>
    %swap3A_5 = arith.constant 0 : i32
    %swap3A_6 = arith.constant 1 : i32
    %swap3A_7 = arith.index_cast %swap3A_6 : i32 to index
    %swap3A_8 = memref.load %arg15[%swap3A_7] : memref<70xi32, #tpu.memory_space<smem>>
    memref.store %swap3A_5, %arg15[%swap3A_7] : memref<70xi32, #tpu.memory_space<smem>>
    %swap3A_9 = arith.constant 0 : i32
    %swap3A_10 = arith.constant 2 : i32
    %swap3A_11 = arith.index_cast %swap3A_10 : i32 to index
    %swap3A_12 = memref.load %arg15[%swap3A_11] : memref<70xi32, #tpu.memory_space<smem>>
    memref.store %swap3A_9, %arg15[%swap3A_11] : memref<70xi32, #tpu.memory_space<smem>>
    %swap3A_13 = arith.constant 0 : i32
    %swap3A_14 = arith.constant 3 : i32
    %swap3A_15 = arith.index_cast %swap3A_14 : i32 to index
    %swap3A_16 = memref.load %arg15[%swap3A_15] : memref<70xi32, #tpu.memory_space<smem>>
    memref.store %swap3A_13, %arg15[%swap3A_15] : memref<70xi32, #tpu.memory_space<smem>>
    %swap3A_17 = arith.constant 0 : i32
    %swap3A_18 = arith.constant 4 : i32
    %swap3A_19 = arith.index_cast %swap3A_18 : i32 to index
    %swap3A_20 = memref.load %arg15[%swap3A_19] : memref<70xi32, #tpu.memory_space<smem>>
    memref.store %swap3A_17, %arg15[%swap3A_19] : memref<70xi32, #tpu.memory_space<smem>>
    %swap3A_21 = arith.constant 0 : i32
    %swap3A_22 = arith.constant 5 : i32
    %swap3A_23 = arith.index_cast %swap3A_22 : i32 to index
    %swap3A_24 = memref.load %arg15[%swap3A_23] : memref<70xi32, #tpu.memory_space<smem>>
    memref.store %swap3A_21, %arg15[%swap3A_23] : memref<70xi32, #tpu.memory_space<smem>>
    %swap3A_25 = arith.constant 0 : i32
    %swap3A_26 = arith.constant 6 : i32
    %swap3A_27 = arith.index_cast %swap3A_26 : i32 to index
    %swap3A_28 = memref.load %arg15[%swap3A_27] : memref<70xi32, #tpu.memory_space<smem>>
    memref.store %swap3A_25, %arg15[%swap3A_27] : memref<70xi32, #tpu.memory_space<smem>>
    %swap3A_29 = arith.constant 0 : i32
    %swap3A_30 = arith.constant 7 : i32
    %swap3A_31 = arith.index_cast %swap3A_30 : i32 to index
    %swap3A_32 = memref.load %arg15[%swap3A_31] : memref<70xi32, #tpu.memory_space<smem>>
    memref.store %swap3A_29, %arg15[%swap3A_31] : memref<70xi32, #tpu.memory_space<smem>>
    %swap3A_33 = arith.constant 0 : i32
    %swap3A_34 = arith.constant 8 : i32
    %swap3A_35 = arith.index_cast %swap3A_34 : i32 to index
    %swap3A_36 = memref.load %arg15[%swap3A_35] : memref<70xi32, #tpu.memory_space<smem>>
    memref.store %swap3A_33, %arg15[%swap3A_35] : memref<70xi32, #tpu.memory_space<smem>>
    %swap3A_37 = arith.constant 0 : i32
    %swap3A_38 = arith.constant 9 : i32
    %swap3A_39 = arith.index_cast %swap3A_38 : i32 to index
    %swap3A_40 = memref.load %arg15[%swap3A_39] : memref<70xi32, #tpu.memory_space<smem>>
    memref.store %swap3A_37, %arg15[%swap3A_39] : memref<70xi32, #tpu.memory_space<smem>>
    %swap3A_41 = arith.constant 0 : i32
    %swap3A_42 = arith.constant 10 : i32
    %swap3A_43 = arith.index_cast %swap3A_42 : i32 to index
    %swap3A_44 = memref.load %arg15[%swap3A_43] : memref<70xi32, #tpu.memory_space<smem>>
    memref.store %swap3A_41, %arg15[%swap3A_43] : memref<70xi32, #tpu.memory_space<smem>>
    %swap3A_45 = arith.constant 0 : i32
    %swap3A_46 = arith.constant 11 : i32
    %swap3A_47 = arith.index_cast %swap3A_46 : i32 to index
    %swap3A_48 = memref.load %arg15[%swap3A_47] : memref<70xi32, #tpu.memory_space<smem>>
    memref.store %swap3A_45, %arg15[%swap3A_47] : memref<70xi32, #tpu.memory_space<smem>>
    %swap3A_49 = arith.constant 0 : i32
    %swap3A_50 = arith.constant 12 : i32
    %swap3A_51 = arith.index_cast %swap3A_50 : i32 to index
    %swap3A_52 = memref.load %arg15[%swap3A_51] : memref<70xi32, #tpu.memory_space<smem>>
    memref.store %swap3A_49, %arg15[%swap3A_51] : memref<70xi32, #tpu.memory_space<smem>>
    %swap3A_53 = arith.constant 0 : i32
    %swap3A_54 = arith.constant 13 : i32
    %swap3A_55 = arith.index_cast %swap3A_54 : i32 to index
    %swap3A_56 = memref.load %arg15[%swap3A_55] : memref<70xi32, #tpu.memory_space<smem>>
    memref.store %swap3A_53, %arg15[%swap3A_55] : memref<70xi32, #tpu.memory_space<smem>>
    %swap3A_57 = arith.constant 0 : i32
    %swap3A_58 = arith.constant 14 : i32
    %swap3A_59 = arith.index_cast %swap3A_58 : i32 to index
    %swap3A_60 = memref.load %arg15[%swap3A_59] : memref<70xi32, #tpu.memory_space<smem>>
    memref.store %swap3A_57, %arg15[%swap3A_59] : memref<70xi32, #tpu.memory_space<smem>>
    %swap3A_61 = arith.constant 0 : i32
    %swap3A_62 = arith.constant 15 : i32
    %swap3A_63 = arith.index_cast %swap3A_62 : i32 to index
    %swap3A_64 = memref.load %arg15[%swap3A_63] : memref<70xi32, #tpu.memory_space<smem>>
    memref.store %swap3A_61, %arg15[%swap3A_63] : memref<70xi32, #tpu.memory_space<smem>>
    %swap3A_65 = arith.constant 0 : i32
    %swap3A_66 = arith.constant 16 : i32
    %swap3A_67 = arith.index_cast %swap3A_66 : i32 to index
    %swap3A_68 = memref.load %arg15[%swap3A_67] : memref<70xi32, #tpu.memory_space<smem>>
    memref.store %swap3A_65, %arg15[%swap3A_67] : memref<70xi32, #tpu.memory_space<smem>>
    %swap3A_69 = arith.constant 0 : i32
    %swap3A_70 = arith.constant 17 : i32
    %swap3A_71 = arith.index_cast %swap3A_70 : i32 to index
    %swap3A_72 = memref.load %arg15[%swap3A_71] : memref<70xi32, #tpu.memory_space<smem>>
    memref.store %swap3A_69, %arg15[%swap3A_71] : memref<70xi32, #tpu.memory_space<smem>>
    %swap3A_73 = arith.constant 0 : i32
    %swap3A_74 = arith.constant 18 : i32
    %swap3A_75 = arith.index_cast %swap3A_74 : i32 to index
    %swap3A_76 = memref.load %arg15[%swap3A_75] : memref<70xi32, #tpu.memory_space<smem>>
    memref.store %swap3A_73, %arg15[%swap3A_75] : memref<70xi32, #tpu.memory_space<smem>>
    %swap3A_77 = arith.constant 0 : i32
    %swap3A_78 = arith.constant 19 : i32
    %swap3A_79 = arith.index_cast %swap3A_78 : i32 to index
    %swap3A_80 = memref.load %arg15[%swap3A_79] : memref<70xi32, #tpu.memory_space<smem>>
    memref.store %swap3A_77, %arg15[%swap3A_79] : memref<70xi32, #tpu.memory_space<smem>>
    %swap3A_81 = arith.constant 0 : i32
    %swap3A_82 = arith.constant 20 : i32
    %swap3A_83 = arith.index_cast %swap3A_82 : i32 to index
    %swap3A_84 = memref.load %arg15[%swap3A_83] : memref<70xi32, #tpu.memory_space<smem>>
    memref.store %swap3A_81, %arg15[%swap3A_83] : memref<70xi32, #tpu.memory_space<smem>>
    %swap3A_85 = arith.constant 0 : i32
    %swap3A_86 = arith.constant 21 : i32
    %swap3A_87 = arith.index_cast %swap3A_86 : i32 to index
    %swap3A_88 = memref.load %arg15[%swap3A_87] : memref<70xi32, #tpu.memory_space<smem>>
    memref.store %swap3A_85, %arg15[%swap3A_87] : memref<70xi32, #tpu.memory_space<smem>>
    %swap3A_89 = arith.constant 0 : i32
    %swap3A_90 = arith.constant 22 : i32
    %swap3A_91 = arith.index_cast %swap3A_90 : i32 to index
    %swap3A_92 = memref.load %arg15[%swap3A_91] : memref<70xi32, #tpu.memory_space<smem>>
    memref.store %swap3A_89, %arg15[%swap3A_91] : memref<70xi32, #tpu.memory_space<smem>>
    %swap3A_93 = arith.constant 0 : i32
    %swap3A_94 = arith.constant 23 : i32
    %swap3A_95 = arith.index_cast %swap3A_94 : i32 to index
    %swap3A_96 = memref.load %arg15[%swap3A_95] : memref<70xi32, #tpu.memory_space<smem>>
    memref.store %swap3A_93, %arg15[%swap3A_95] : memref<70xi32, #tpu.memory_space<smem>>
    %swap3A_97 = arith.constant 0 : i32
    %swap3A_98 = arith.constant 24 : i32
    %swap3A_99 = arith.index_cast %swap3A_98 : i32 to index
    %swap3A_100 = memref.load %arg15[%swap3A_99] : memref<70xi32, #tpu.memory_space<smem>>
    memref.store %swap3A_97, %arg15[%swap3A_99] : memref<70xi32, #tpu.memory_space<smem>>
    %swap3A_101 = arith.constant 0 : i32
    %swap3A_102 = arith.constant 25 : i32
    %swap3A_103 = arith.index_cast %swap3A_102 : i32 to index
    %swap3A_104 = memref.load %arg15[%swap3A_103] : memref<70xi32, #tpu.memory_space<smem>>
    memref.store %swap3A_101, %arg15[%swap3A_103] : memref<70xi32, #tpu.memory_space<smem>>
    %swap3A_105 = arith.constant 0 : i32
    %swap3A_106 = arith.constant 26 : i32
    %swap3A_107 = arith.index_cast %swap3A_106 : i32 to index
    %swap3A_108 = memref.load %arg15[%swap3A_107] : memref<70xi32, #tpu.memory_space<smem>>
    memref.store %swap3A_105, %arg15[%swap3A_107] : memref<70xi32, #tpu.memory_space<smem>>
    %swap3A_109 = arith.constant 0 : i32
    %swap3A_110 = arith.constant 27 : i32
    %swap3A_111 = arith.index_cast %swap3A_110 : i32 to index
    %swap3A_112 = memref.load %arg15[%swap3A_111] : memref<70xi32, #tpu.memory_space<smem>>
    memref.store %swap3A_109, %arg15[%swap3A_111] : memref<70xi32, #tpu.memory_space<smem>>
    %swap3A_113 = arith.constant 0 : i32
    %swap3A_114 = arith.constant 28 : i32
    %swap3A_115 = arith.index_cast %swap3A_114 : i32 to index
    %swap3A_116 = memref.load %arg15[%swap3A_115] : memref<70xi32, #tpu.memory_space<smem>>
    memref.store %swap3A_113, %arg15[%swap3A_115] : memref<70xi32, #tpu.memory_space<smem>>
    %swap3A_117 = arith.constant 0 : i32
    %swap3A_118 = arith.constant 29 : i32
    %swap3A_119 = arith.index_cast %swap3A_118 : i32 to index
    %swap3A_120 = memref.load %arg15[%swap3A_119] : memref<70xi32, #tpu.memory_space<smem>>
    memref.store %swap3A_117, %arg15[%swap3A_119] : memref<70xi32, #tpu.memory_space<smem>>
    %swap3A_121 = arith.constant 0 : i32
    %swap3A_122 = arith.constant 30 : i32
    %swap3A_123 = arith.index_cast %swap3A_122 : i32 to index
    %swap3A_124 = memref.load %arg15[%swap3A_123] : memref<70xi32, #tpu.memory_space<smem>>
    memref.store %swap3A_121, %arg15[%swap3A_123] : memref<70xi32, #tpu.memory_space<smem>>
    %swap3A_125 = arith.constant 0 : i32
    %swap3A_126 = arith.constant 31 : i32
    %swap3A_127 = arith.index_cast %swap3A_126 : i32 to index
    %swap3A_128 = memref.load %arg15[%swap3A_127] : memref<70xi32, #tpu.memory_space<smem>>
    memref.store %swap3A_125, %arg15[%swap3A_127] : memref<70xi32, #tpu.memory_space<smem>>
    %swap3A_129 = arith.constant 0 : i32
    %swap3A_130 = arith.constant 32 : i32
    %swap3A_131 = arith.index_cast %swap3A_130 : i32 to index
    %swap3A_132 = memref.load %arg15[%swap3A_131] : memref<70xi32, #tpu.memory_space<smem>>
    memref.store %swap3A_129, %arg15[%swap3A_131] : memref<70xi32, #tpu.memory_space<smem>>
    %swap3A_133 = arith.constant 0 : i32
    %swap3A_134 = arith.constant 33 : i32
    %swap3A_135 = arith.index_cast %swap3A_134 : i32 to index
    %swap3A_136 = memref.load %arg15[%swap3A_135] : memref<70xi32, #tpu.memory_space<smem>>
    memref.store %swap3A_133, %arg15[%swap3A_135] : memref<70xi32, #tpu.memory_space<smem>>
    %swap3A_137 = arith.constant 0 : i32
    %swap3A_138 = arith.constant 34 : i32
    %swap3A_139 = arith.index_cast %swap3A_138 : i32 to index
    %swap3A_140 = memref.load %arg15[%swap3A_139] : memref<70xi32, #tpu.memory_space<smem>>
    memref.store %swap3A_137, %arg15[%swap3A_139] : memref<70xi32, #tpu.memory_space<smem>>
    %swap3A_141 = arith.constant 0 : i32
    %swap3A_142 = arith.constant 35 : i32
    %swap3A_143 = arith.index_cast %swap3A_142 : i32 to index
    %swap3A_144 = memref.load %arg15[%swap3A_143] : memref<70xi32, #tpu.memory_space<smem>>
    memref.store %swap3A_141, %arg15[%swap3A_143] : memref<70xi32, #tpu.memory_space<smem>>
    %swap3A_145 = arith.constant 0 : i32
    %swap3A_146 = arith.constant 36 : i32
    %swap3A_147 = arith.index_cast %swap3A_146 : i32 to index
    %swap3A_148 = memref.load %arg15[%swap3A_147] : memref<70xi32, #tpu.memory_space<smem>>
    memref.store %swap3A_145, %arg15[%swap3A_147] : memref<70xi32, #tpu.memory_space<smem>>
    %swap3A_149 = arith.constant 0 : i32
    %swap3A_150 = arith.constant 37 : i32
    %swap3A_151 = arith.index_cast %swap3A_150 : i32 to index
    %swap3A_152 = memref.load %arg15[%swap3A_151] : memref<70xi32, #tpu.memory_space<smem>>
    memref.store %swap3A_149, %arg15[%swap3A_151] : memref<70xi32, #tpu.memory_space<smem>>
    %swap3A_153 = arith.constant 0 : i32
    %swap3A_154 = arith.constant 38 : i32
    %swap3A_155 = arith.index_cast %swap3A_154 : i32 to index
    %swap3A_156 = memref.load %arg15[%swap3A_155] : memref<70xi32, #tpu.memory_space<smem>>
    memref.store %swap3A_153, %arg15[%swap3A_155] : memref<70xi32, #tpu.memory_space<smem>>
    %swap3A_157 = arith.constant 0 : i32
    %swap3A_158 = arith.constant 39 : i32
    %swap3A_159 = arith.index_cast %swap3A_158 : i32 to index
    %swap3A_160 = memref.load %arg15[%swap3A_159] : memref<70xi32, #tpu.memory_space<smem>>
    memref.store %swap3A_157, %arg15[%swap3A_159] : memref<70xi32, #tpu.memory_space<smem>>
    %swap3A_161 = arith.constant 0 : i32
    %swap3A_162 = arith.constant 40 : i32
    %swap3A_163 = arith.index_cast %swap3A_162 : i32 to index
    %swap3A_164 = memref.load %arg15[%swap3A_163] : memref<70xi32, #tpu.memory_space<smem>>
    memref.store %swap3A_161, %arg15[%swap3A_163] : memref<70xi32, #tpu.memory_space<smem>>
    %swap3A_165 = arith.constant 0 : i32
    %swap3A_166 = arith.constant 41 : i32
    %swap3A_167 = arith.index_cast %swap3A_166 : i32 to index
    %swap3A_168 = memref.load %arg15[%swap3A_167] : memref<70xi32, #tpu.memory_space<smem>>
    memref.store %swap3A_165, %arg15[%swap3A_167] : memref<70xi32, #tpu.memory_space<smem>>
    %swap3A_169 = arith.constant 0 : i32
    %swap3A_170 = arith.constant 42 : i32
    %swap3A_171 = arith.index_cast %swap3A_170 : i32 to index
    %swap3A_172 = memref.load %arg15[%swap3A_171] : memref<70xi32, #tpu.memory_space<smem>>
    memref.store %swap3A_169, %arg15[%swap3A_171] : memref<70xi32, #tpu.memory_space<smem>>
    %swap3A_173 = arith.constant 0 : i32
    %swap3A_174 = arith.constant 43 : i32
    %swap3A_175 = arith.index_cast %swap3A_174 : i32 to index
    %swap3A_176 = memref.load %arg15[%swap3A_175] : memref<70xi32, #tpu.memory_space<smem>>
    memref.store %swap3A_173, %arg15[%swap3A_175] : memref<70xi32, #tpu.memory_space<smem>>
    %swap3A_177 = arith.constant 0 : i32
    %swap3A_178 = arith.constant 44 : i32
    %swap3A_179 = arith.index_cast %swap3A_178 : i32 to index
    %swap3A_180 = memref.load %arg15[%swap3A_179] : memref<70xi32, #tpu.memory_space<smem>>
    memref.store %swap3A_177, %arg15[%swap3A_179] : memref<70xi32, #tpu.memory_space<smem>>
    %swap3A_181 = arith.constant 0 : i32
    %swap3A_182 = arith.constant 45 : i32
    %swap3A_183 = arith.index_cast %swap3A_182 : i32 to index
    %swap3A_184 = memref.load %arg15[%swap3A_183] : memref<70xi32, #tpu.memory_space<smem>>
    memref.store %swap3A_181, %arg15[%swap3A_183] : memref<70xi32, #tpu.memory_space<smem>>
    %swap3A_185 = arith.constant 0 : i32
    %swap3A_186 = arith.constant 46 : i32
    %swap3A_187 = arith.index_cast %swap3A_186 : i32 to index
    %swap3A_188 = memref.load %arg15[%swap3A_187] : memref<70xi32, #tpu.memory_space<smem>>
    memref.store %swap3A_185, %arg15[%swap3A_187] : memref<70xi32, #tpu.memory_space<smem>>
    %swap3A_189 = arith.constant 0 : i32
    %swap3A_190 = arith.constant 47 : i32
    %swap3A_191 = arith.index_cast %swap3A_190 : i32 to index
    %swap3A_192 = memref.load %arg15[%swap3A_191] : memref<70xi32, #tpu.memory_space<smem>>
    memref.store %swap3A_189, %arg15[%swap3A_191] : memref<70xi32, #tpu.memory_space<smem>>
    %swap3A_193 = arith.constant 0 : i32
    %swap3A_194 = arith.constant 48 : i32
    %swap3A_195 = arith.index_cast %swap3A_194 : i32 to index
    %swap3A_196 = memref.load %arg15[%swap3A_195] : memref<70xi32, #tpu.memory_space<smem>>
    memref.store %swap3A_193, %arg15[%swap3A_195] : memref<70xi32, #tpu.memory_space<smem>>
    %swap3A_197 = arith.constant 0 : i32
    %swap3A_198 = arith.constant 49 : i32
    %swap3A_199 = arith.index_cast %swap3A_198 : i32 to index
    %swap3A_200 = memref.load %arg15[%swap3A_199] : memref<70xi32, #tpu.memory_space<smem>>
    memref.store %swap3A_197, %arg15[%swap3A_199] : memref<70xi32, #tpu.memory_space<smem>>
    %swap3A_201 = arith.constant 0 : i32
    %swap3A_202 = arith.constant 50 : i32
    %swap3A_203 = arith.index_cast %swap3A_202 : i32 to index
    %swap3A_204 = memref.load %arg15[%swap3A_203] : memref<70xi32, #tpu.memory_space<smem>>
    memref.store %swap3A_201, %arg15[%swap3A_203] : memref<70xi32, #tpu.memory_space<smem>>
    %swap3A_205 = arith.constant 0 : i32
    %swap3A_206 = arith.constant 51 : i32
    %swap3A_207 = arith.index_cast %swap3A_206 : i32 to index
    %swap3A_208 = memref.load %arg15[%swap3A_207] : memref<70xi32, #tpu.memory_space<smem>>
    memref.store %swap3A_205, %arg15[%swap3A_207] : memref<70xi32, #tpu.memory_space<smem>>
    %swap3A_209 = arith.constant 0 : i32
    %swap3A_210 = arith.constant 52 : i32
    %swap3A_211 = arith.index_cast %swap3A_210 : i32 to index
    %swap3A_212 = memref.load %arg15[%swap3A_211] : memref<70xi32, #tpu.memory_space<smem>>
    memref.store %swap3A_209, %arg15[%swap3A_211] : memref<70xi32, #tpu.memory_space<smem>>
    %swap3A_213 = arith.constant 0 : i32
    %swap3A_214 = arith.constant 53 : i32
    %swap3A_215 = arith.index_cast %swap3A_214 : i32 to index
    %swap3A_216 = memref.load %arg15[%swap3A_215] : memref<70xi32, #tpu.memory_space<smem>>
    memref.store %swap3A_213, %arg15[%swap3A_215] : memref<70xi32, #tpu.memory_space<smem>>
    %swap3A_217 = arith.constant 0 : i32
    %swap3A_218 = arith.constant 54 : i32
    %swap3A_219 = arith.index_cast %swap3A_218 : i32 to index
    %swap3A_220 = memref.load %arg15[%swap3A_219] : memref<70xi32, #tpu.memory_space<smem>>
    memref.store %swap3A_217, %arg15[%swap3A_219] : memref<70xi32, #tpu.memory_space<smem>>
    %swap3A_221 = arith.constant 0 : i32
    %swap3A_222 = arith.constant 55 : i32
    %swap3A_223 = arith.index_cast %swap3A_222 : i32 to index
    %swap3A_224 = memref.load %arg15[%swap3A_223] : memref<70xi32, #tpu.memory_space<smem>>
    memref.store %swap3A_221, %arg15[%swap3A_223] : memref<70xi32, #tpu.memory_space<smem>>
    %swap3A_225 = arith.constant 0 : i32
    %swap3A_226 = arith.constant 56 : i32
    %swap3A_227 = arith.index_cast %swap3A_226 : i32 to index
    %swap3A_228 = memref.load %arg15[%swap3A_227] : memref<70xi32, #tpu.memory_space<smem>>
    memref.store %swap3A_225, %arg15[%swap3A_227] : memref<70xi32, #tpu.memory_space<smem>>
    %swap3A_229 = arith.constant 0 : i32
    %swap3A_230 = arith.constant 57 : i32
    %swap3A_231 = arith.index_cast %swap3A_230 : i32 to index
    %swap3A_232 = memref.load %arg15[%swap3A_231] : memref<70xi32, #tpu.memory_space<smem>>
    memref.store %swap3A_229, %arg15[%swap3A_231] : memref<70xi32, #tpu.memory_space<smem>>
    %swap3A_233 = arith.constant 0 : i32
    %swap3A_234 = arith.constant 58 : i32
    %swap3A_235 = arith.index_cast %swap3A_234 : i32 to index
    %swap3A_236 = memref.load %arg15[%swap3A_235] : memref<70xi32, #tpu.memory_space<smem>>
    memref.store %swap3A_233, %arg15[%swap3A_235] : memref<70xi32, #tpu.memory_space<smem>>
    %swap3A_237 = arith.constant 0 : i32
    %swap3A_238 = arith.constant 59 : i32
    %swap3A_239 = arith.index_cast %swap3A_238 : i32 to index
    %swap3A_240 = memref.load %arg15[%swap3A_239] : memref<70xi32, #tpu.memory_space<smem>>
    memref.store %swap3A_237, %arg15[%swap3A_239] : memref<70xi32, #tpu.memory_space<smem>>
    %swap3A_241 = arith.constant 0 : i32
    %swap3A_242 = arith.constant 60 : i32
    %swap3A_243 = arith.index_cast %swap3A_242 : i32 to index
    %swap3A_244 = memref.load %arg15[%swap3A_243] : memref<70xi32, #tpu.memory_space<smem>>
    memref.store %swap3A_241, %arg15[%swap3A_243] : memref<70xi32, #tpu.memory_space<smem>>
    %swap3A_245 = arith.constant 0 : i32
    %swap3A_246 = arith.constant 61 : i32
    %swap3A_247 = arith.index_cast %swap3A_246 : i32 to index
    %swap3A_248 = memref.load %arg15[%swap3A_247] : memref<70xi32, #tpu.memory_space<smem>>
    memref.store %swap3A_245, %arg15[%swap3A_247] : memref<70xi32, #tpu.memory_space<smem>>
    %swap3A_249 = arith.constant 0 : i32
    %swap3A_250 = arith.constant 62 : i32
    %swap3A_251 = arith.index_cast %swap3A_250 : i32 to index
    %swap3A_252 = memref.load %arg15[%swap3A_251] : memref<70xi32, #tpu.memory_space<smem>>
    memref.store %swap3A_249, %arg15[%swap3A_251] : memref<70xi32, #tpu.memory_space<smem>>
    %swap3A_253 = arith.constant 0 : i32
    %swap3A_254 = arith.constant 63 : i32
    %swap3A_255 = arith.index_cast %swap3A_254 : i32 to index
    %swap3A_256 = memref.load %arg15[%swap3A_255] : memref<70xi32, #tpu.memory_space<smem>>
    memref.store %swap3A_253, %arg15[%swap3A_255] : memref<70xi32, #tpu.memory_space<smem>>
    %swap3A_257 = arith.constant 0 : i32
    %swap3A_258 = arith.constant 64 : i32
    %swap3A_259 = arith.index_cast %swap3A_258 : i32 to index
    %swap3A_260 = memref.load %arg15[%swap3A_259] : memref<70xi32, #tpu.memory_space<smem>>
    memref.store %swap3A_257, %arg15[%swap3A_259] : memref<70xi32, #tpu.memory_space<smem>>
    %swap3A_261 = arith.constant 0 : i32
    %swap3A_262 = arith.constant 65 : i32
    %swap3A_263 = arith.index_cast %swap3A_262 : i32 to index
    %swap3A_264 = memref.load %arg15[%swap3A_263] : memref<70xi32, #tpu.memory_space<smem>>
    memref.store %swap3A_261, %arg15[%swap3A_263] : memref<70xi32, #tpu.memory_space<smem>>
    %swap3A_265 = arith.constant 0 : i32
    %swap3A_266 = arith.constant 66 : i32
    %swap3A_267 = arith.index_cast %swap3A_266 : i32 to index
    %swap3A_268 = memref.load %arg15[%swap3A_267] : memref<70xi32, #tpu.memory_space<smem>>
    memref.store %swap3A_265, %arg15[%swap3A_267] : memref<70xi32, #tpu.memory_space<smem>>
    %swap3A_269 = arith.constant 0 : i32
    %swap3A_270 = arith.constant 67 : i32
    %swap3A_271 = arith.index_cast %swap3A_270 : i32 to index
    %swap3A_272 = memref.load %arg15[%swap3A_271] : memref<70xi32, #tpu.memory_space<smem>>
    memref.store %swap3A_269, %arg15[%swap3A_271] : memref<70xi32, #tpu.memory_space<smem>>
    %swap3A_273 = arith.constant 0 : i32
    %swap3A_274 = arith.constant 68 : i32
    %swap3A_275 = arith.index_cast %swap3A_274 : i32 to index
    %swap3A_276 = memref.load %arg15[%swap3A_275] : memref<70xi32, #tpu.memory_space<smem>>
    memref.store %swap3A_273, %arg15[%swap3A_275] : memref<70xi32, #tpu.memory_space<smem>>
    %swap3A_277 = arith.constant 0 : i32
    %swap3A_278 = arith.constant 69 : i32
    %swap3A_279 = arith.index_cast %swap3A_278 : i32 to index
    %swap3A_280 = memref.load %arg15[%swap3A_279] : memref<70xi32, #tpu.memory_space<smem>>
    memref.store %swap3A_277, %arg15[%swap3A_279] : memref<70xi32, #tpu.memory_space<smem>>
    %barrier3A = arith.constant 0 : index
    tpu.barrier barrier_id(%barrier3A)
    %iota3A_281 = tpu.iota {dimensions = array<i32: 0>} : vector<16xi32>
    %broadcast_in_dim3A = arith.constant 0xFF800000 : f32
    %broadcast_in_dim3A_282 = vector.broadcast %broadcast_in_dim3A : f32 to vector<16xf32>
    %broadcast_in_dim3A_283 = vector.broadcast %mul3A_1 : i32 to vector<16xi32>
    %parallel_loop3A = arith.constant 0 : i32
    %parallel_loop3A_284 = arith.constant 80 : i32
    %parallel_loop3A_285 = arith.constant 1 : i32
    %parallel_loop3A_286 = arith.constant 0.000000e+00 : f32
    %parallel_loop3A_287:2 = scf.for %parallel_loop3A_299 = %parallel_loop3A to %parallel_loop3A_284 step %parallel_loop3A_285 iter_args(%parallel_loop3A_300 = %broadcast_in_dim3A_282, %parallel_loop3A_301 = %broadcast_in_dim3A_283) -> (vector<16xf32>, vector<16xi32>)  : i32 {
      %parallel_loop3A_302 = arith.constant 16 : i32
      %parallel_loop3A_303 = arith.muli %parallel_loop3A_299, %parallel_loop3A_302 : i32
      %parallel_loop3A_304 = tpu.assume_multiple %parallel_loop3A_303, 16 : i32
      %parallel_loop3A_305 = arith.addi %mul3A_1, %parallel_loop3A_304 : i32
      %parallel_loop3A_306 = arith.index_cast %parallel_loop3A_305 : i32 to index
      %parallel_loop3A_307 = tpu.vector_load %arg8[%parallel_loop3A_306] {strides = array<i32>} : memref<20480xf32, #tpu.memory_space<vmem>>, vector<16xf32>,
      %parallel_loop3A_308 = arith.index_cast %parallel_loop3A_305 : i32 to index
      %parallel_loop3A_309 = tpu.vector_load %arg9[%parallel_loop3A_308] {strides = array<i32>} : memref<20480xf32, #tpu.memory_space<vmem>>, vector<16xf32>,
      %parallel_loop3A_310 = arith.index_cast %parallel_loop3A_305 : i32 to index
      %parallel_loop3A_311 = tpu.vector_load %arg10[%parallel_loop3A_310] {strides = array<i32>} : memref<20480xf32, #tpu.memory_space<vmem>>, vector<16xf32>,
      %parallel_loop3A_312 = arith.index_cast %parallel_loop3A_305 : i32 to index
      %parallel_loop3A_313 = tpu.vector_load %arg11[%parallel_loop3A_312] {strides = array<i32>} : memref<20480xf32, #tpu.memory_space<vmem>>, vector<16xf32>,
      %parallel_loop3A_314 = arith.index_cast %parallel_loop3A_304 : i32 to index
      %parallel_loop3A_315 = tpu.vector_load %arg12[%parallel_loop3A_314] {strides = array<i32>} : memref<1280xf32, #tpu.memory_space<vmem>>, vector<16xf32>,
      %parallel_loop3A_316 = arith.subf %parallel_loop3A_311, %parallel_loop3A_307 : vector<16xf32>
      %parallel_loop3A_317 = arith.subf %parallel_loop3A_313, %parallel_loop3A_309 : vector<16xf32>
      %parallel_loop3A_318 = arith.mulf %parallel_loop3A_316, %parallel_loop3A_317 : vector<16xf32>
      %parallel_loop3A_319 = arith.index_cast %parallel_loop3A_304 : i32 to index
      %parallel_loop3A_320 = tpu.vector_load %arg13[%parallel_loop3A_319] {strides = array<i32>} : memref<1280xf32, #tpu.memory_space<vmem>>, vector<16xf32>,
      tpu.vector_store %arg13[%parallel_loop3A_319], %parallel_loop3A_318 {strides = array<i32>} : memref<1280xf32, #tpu.memory_space<vmem>>, vector<16xf32>,
      %parallel_loop3A_321 = vector.broadcast %parallel_loop3A_286 : f32 to vector<16xf32>
      %parallel_loop3A_322 = arith.maximumf %parallel_loop3A_321, %parallel_loop3A_307 : vector<16xf32>
      %parallel_loop3A_323 = vector.broadcast %parallel_loop3A_286 : f32 to vector<16xf32>
      %parallel_loop3A_324 = arith.maximumf %parallel_loop3A_323, %parallel_loop3A_309 : vector<16xf32>
      %parallel_loop3A_325 = vector.broadcast %parallel_loop3A_286 : f32 to vector<16xf32>
      %parallel_loop3A_326 = arith.minimumf %parallel_loop3A_325, %parallel_loop3A_311 : vector<16xf32>
      %parallel_loop3A_327 = vector.broadcast %parallel_loop3A_286 : f32 to vector<16xf32>
      %parallel_loop3A_328 = arith.minimumf %parallel_loop3A_327, %parallel_loop3A_313 : vector<16xf32>
      %parallel_loop3A_329 = arith.subf %parallel_loop3A_326, %parallel_loop3A_322 : vector<16xf32>
      %parallel_loop3A_330 = arith.constant 0.000000e+00 : f32
      %parallel_loop3A_331 = vector.broadcast %parallel_loop3A_330 : f32 to vector<16xf32>
      %parallel_loop3A_332 = arith.maximumf %parallel_loop3A_329, %parallel_loop3A_331 : vector<16xf32>
      %parallel_loop3A_333 = arith.subf %parallel_loop3A_328, %parallel_loop3A_324 : vector<16xf32>
      %parallel_loop3A_334 = arith.constant 0.000000e+00 : f32
      %parallel_loop3A_335 = vector.broadcast %parallel_loop3A_334 : f32 to vector<16xf32>
      %parallel_loop3A_336 = arith.maximumf %parallel_loop3A_333, %parallel_loop3A_335 : vector<16xf32>
      %parallel_loop3A_337 = arith.mulf %parallel_loop3A_332, %parallel_loop3A_336 : vector<16xf32>
      %parallel_loop3A_338 = vector.broadcast %parallel_loop3A_286 : f32 to vector<16xf32>
      %parallel_loop3A_339 = arith.addf %parallel_loop3A_338, %parallel_loop3A_318 : vector<16xf32>
      %parallel_loop3A_340 = arith.subf %parallel_loop3A_339, %parallel_loop3A_337 : vector<16xf32>
      %parallel_loop3A_341 = arith.constant 9.99999971E-10 : f32
      %parallel_loop3A_342 = vector.broadcast %parallel_loop3A_341 : f32 to vector<16xf32>
      %parallel_loop3A_343 = arith.addf %parallel_loop3A_340, %parallel_loop3A_342 : vector<16xf32>
      %parallel_loop3A_344 = arith.divf %parallel_loop3A_337, %parallel_loop3A_343 : vector<16xf32>
      %parallel_loop3A_345 = arith.constant 5.000000e-01 : f32
      %parallel_loop3A_346 = vector.broadcast %parallel_loop3A_345 : f32 to vector<16xf32>
      %parallel_loop3A_347 = arith.cmpf ogt, %parallel_loop3A_344, %parallel_loop3A_346 : vector<16xf32>
      %parallel_loop3A_348 = arith.constant 0xFF800000 : f32
      %parallel_loop3A_349 = vector.broadcast %parallel_loop3A_348 : f32 to vector<16xf32>
      %parallel_loop3A_350 = arith.select %parallel_loop3A_347, %parallel_loop3A_349, %parallel_loop3A_315 : vector<16xi1>, vector<16xf32>
      %parallel_loop3A_351 = arith.index_cast %parallel_loop3A_304 : i32 to index
      %parallel_loop3A_352 = tpu.vector_load %arg12[%parallel_loop3A_351] {strides = array<i32>} : memref<1280xf32, #tpu.memory_space<vmem>>, vector<16xf32>,
      tpu.vector_store %arg12[%parallel_loop3A_351], %parallel_loop3A_350 {strides = array<i32>} : memref<1280xf32, #tpu.memory_space<vmem>>, vector<16xf32>,
      %parallel_loop3A_353 = arith.addi %mul3A_1, %parallel_loop3A_304 : i32
      %parallel_loop3A_354 = vector.broadcast %parallel_loop3A_353 : i32 to vector<16xi32>
      %parallel_loop3A_355 = arith.addi %parallel_loop3A_354, %iota3A_281 : vector<16xi32>
      %parallel_loop3A_356 = arith.cmpf ogt, %parallel_loop3A_350, %parallel_loop3A_300 : vector<16xf32>
      %parallel_loop3A_357 = arith.select %parallel_loop3A_356, %parallel_loop3A_350, %parallel_loop3A_300 : vector<16xi1>, vector<16xf32>
      %parallel_loop3A_358 = arith.select %parallel_loop3A_356, %parallel_loop3A_355, %parallel_loop3A_301 : vector<16xi1>, vector<16xi32>
      scf.yield %parallel_loop3A_357, %parallel_loop3A_358 : vector<16xf32>, vector<16xi32>
    } {sc.loop_unroll_factor = 4 : i64, sc.parallel_access}
    %scan3A = arith.constant 0.000000e+00 : f32
    %scan3A_288 = arith.constant 0 : i32
    %scan3A_289 = arith.constant 0 : i32
    %scan3A_290 = arith.constant 0 : i32
    %scan3A_291 = arith.constant 0 : i32
    %scan3A_292 = arith.constant 0 : i32
    %scan3A_293 = arith.constant 100 : i32
    %scan3A_294 = arith.addi %scan3A_292, %scan3A_293 : i32
    %scan3A_295 = arith.constant 1 : i32
    %scan3A_296:6 = scf.for %scan3A_299 = %scan3A_292 to %scan3A_294 step %scan3A_295 iter_args(%scan3A_300 = %parallel_loop3A_287#0, %scan3A_301 = %parallel_loop3A_287#1, %scan3A_302 = %scan3A_288, %scan3A_303 = %scan3A_289, %scan3A_304 = %scan3A_290, %scan3A_305 = %scan3A_291) -> (vector<16xf32>, vector<16xi32>, i32, i32, i32, i32)  : i32 {
      %bitcast3A = vector.bitcast %scan3A_300 : vector<16xf32> to vector<16xi32>
      %reduce_max3A = arith.constant true
      %reduce_max3A_306 = vector.broadcast %reduce_max3A : i1 to vector<16xi1>
      %reduce_max3A_307 = arith.constant -2147483648 : i32
      %reduce_max3A_308 = vector.broadcast %reduce_max3A_307 : i32 to vector<16xi32>
      %reduce_max3A_309 = arith.xori %bitcast3A, %reduce_max3A_308 : vector<16xi32>
      %reduce_max3A_310 = tpu.scan <max>, %reduce_max3A_309 masked %reduce_max3A_306 : vector<16xi32>, vector<16xi1> -> vector<16xi32>
      %reduce_max3A_311 = arith.xori %reduce_max3A_310, %reduce_max3A_308 : vector<16xi32>
      %reduce_max3A_312 = vector.extract %reduce_max3A_311[15] : i32 from vector<16xi32>
      %eq3A_313 = vector.broadcast %reduce_max3A_312 : i32 to vector<16xi32>
      %eq3A_314 = arith.cmpi eq, %bitcast3A, %eq3A_313 : vector<16xi32>
      %jit3A = arith.constant 2147483647 : i32
      %broadcast_in_dim3A_315 = vector.broadcast %jit3A : i32 to vector<16xi32>
      %select_n3A = arith.select %eq3A_314, %scan3A_301, %broadcast_in_dim3A_315 : vector<16xi1>, vector<16xi32>
      %reduce_min3A = arith.constant true
      %reduce_min3A_316 = vector.broadcast %reduce_min3A : i1 to vector<16xi1>
      %reduce_min3A_317 = arith.constant -2147483648 : i32
      %reduce_min3A_318 = vector.broadcast %reduce_min3A_317 : i32 to vector<16xi32>
      %reduce_min3A_319 = arith.xori %select_n3A, %reduce_min3A_318 : vector<16xi32>
      %reduce_min3A_320 = tpu.scan <min>, %reduce_min3A_319 masked %reduce_min3A_316 : vector<16xi32>, vector<16xi1> -> vector<16xi32>
      %reduce_min3A_321 = arith.xori %reduce_min3A_320, %reduce_min3A_318 : vector<16xi32>
      %reduce_min3A_322 = vector.extract %reduce_min3A_321[15] : i32 from vector<16xi32>
      %rem3A = arith.constant 2 : i32
      %rem3A_323 = arith.remsi %scan3A_299, %rem3A : i32
      %eq3A_324 = arith.constant 0 : i32
      %eq3A_325 = arith.cmpi eq, %rem3A_323, %eq3A_324 : i32
      %select_n3A_326 = arith.select %eq3A_325, %scan3A_302, %scan3A_304 : i32
      %select_n3A_327 = arith.select %eq3A_325, %scan3A_303, %scan3A_305 : i32
      %jit3A_328 = arith.constant 0 : i32
      %jit3A_329 = arith.constant 32 : i32
      %select_n3A_330 = arith.select %eq3A_325, %jit3A_328, %jit3A_329 : i32
      %mul3A_331 = arith.constant 2 : i32
      %mul3A_332 = arith.muli %mul3A_331, %arg1 : i32
      %add3A = arith.addi %select_n3A_330, %mul3A_332 : i32
      %sub3A = arith.subi %reduce_max3A_312, %select_n3A_326 : i32
      %sc_fetch_and_add3A = arith.constant 0 : i32
      %sc_fetch_and_add3A_333 = tpu.fetch_and_add_sync %arg15[%add3A], %sub3A, %sc_fetch_and_add3A : memref<70xi32, #tpu.memory_space<smem>>, i32 -> i32
      %mul3A_334 = arith.constant 2 : i32
      %mul3A_335 = arith.muli %mul3A_334, %arg1 : i32
      %add3A_336 = arith.addi %select_n3A_330, %mul3A_335 : i32
      %add3A_337 = arith.constant 1 : i32
      %add3A_338 = arith.addi %add3A_336, %add3A_337 : i32
      %sub3A_339 = arith.subi %reduce_min3A_322, %select_n3A_327 : i32
      %sc_fetch_and_add3A_340 = arith.constant 0 : i32
      %sc_fetch_and_add3A_341 = tpu.fetch_and_add_sync %arg15[%add3A_338], %sub3A_339, %sc_fetch_and_add3A_340 : memref<70xi32, #tpu.memory_space<smem>>, i32 -> i32
      %select_n3A_342 = arith.select %eq3A_325, %reduce_max3A_312, %scan3A_302 : i32
      %select_n3A_343 = arith.select %eq3A_325, %reduce_min3A_322, %scan3A_303 : i32
      %select_n3A_344 = arith.select %eq3A_325, %scan3A_304, %reduce_max3A_312 : i32
      %select_n3A_345 = arith.select %eq3A_325, %scan3A_305, %reduce_min3A_322 : i32
      %barrier3A_346 = arith.constant 0 : index
      tpu.barrier barrier_id(%barrier3A_346)
      %jit3A_347 = arith.constant 64 : i32
      %jit3A_348 = arith.constant 66 : i32
      %select_n3A_349 = arith.select %eq3A_325, %jit3A_347, %jit3A_348 : i32
      %convert_element_type3A_350 = arith.extui %eq3A_0 : i1 to i32
      %cond3A_351 = arith.constant 0 : i32
      %cond3A_352 = arith.cmpi ne, %convert_element_type3A_350, %cond3A_351 : i32
      scf.if %cond3A_352 {
        %get3A = arith.index_cast %select_n3A_330 : i32 to index
        %get3A_383 = memref.load %arg15[%get3A] : memref<70xi32, #tpu.memory_space<smem>>
        %add3A_384 = arith.constant 1 : i32
        %add3A_385 = arith.addi %select_n3A_330, %add3A_384 : i32
        %get3A_386 = arith.index_cast %add3A_385 : i32 to index
        %get3A_387 = memref.load %arg15[%get3A_386] : memref<70xi32, #tpu.memory_space<smem>>
        %add3A_388 = arith.constant 2 : i32
        %add3A_389 = arith.addi %select_n3A_330, %add3A_388 : i32
        %get3A_390 = arith.index_cast %add3A_389 : i32 to index
        %get3A_391 = memref.load %arg15[%get3A_390] : memref<70xi32, #tpu.memory_space<smem>>
        %add3A_392 = arith.constant 2 : i32
        %add3A_393 = arith.addi %select_n3A_330, %add3A_392 : i32
        %add3A_394 = arith.constant 1 : i32
        %add3A_395 = arith.addi %add3A_393, %add3A_394 : i32
        %get3A_396 = arith.index_cast %add3A_395 : i32 to index
        %get3A_397 = memref.load %arg15[%get3A_396] : memref<70xi32, #tpu.memory_space<smem>>
        %gt3A = arith.cmpi sgt, %get3A_391, %get3A_383 : i32
        %eq3A_398 = arith.cmpi eq, %get3A_391, %get3A_383 : i32
        %lt3A = arith.cmpi slt, %get3A_397, %get3A_387 : i32
        %and3A = arith.andi %eq3A_398, %lt3A : i1
        %or3A = arith.ori %gt3A, %and3A : i1
        %select_n3A_399 = arith.select %or3A, %get3A_391, %get3A_383 : i32
        %select_n3A_400 = arith.select %or3A, %get3A_397, %get3A_387 : i32
        %add3A_401 = arith.constant 4 : i32
        %add3A_402 = arith.addi %select_n3A_330, %add3A_401 : i32
        %get3A_403 = arith.index_cast %add3A_402 : i32 to index
        %get3A_404 = memref.load %arg15[%get3A_403] : memref<70xi32, #tpu.memory_space<smem>>
        %add3A_405 = arith.constant 4 : i32
        %add3A_406 = arith.addi %select_n3A_330, %add3A_405 : i32
        %add3A_407 = arith.constant 1 : i32
        %add3A_408 = arith.addi %add3A_406, %add3A_407 : i32
        %get3A_409 = arith.index_cast %add3A_408 : i32 to index
        %get3A_410 = memref.load %arg15[%get3A_409] : memref<70xi32, #tpu.memory_space<smem>>
        %gt3A_411 = arith.cmpi sgt, %get3A_404, %select_n3A_399 : i32
        %eq3A_412 = arith.cmpi eq, %get3A_404, %select_n3A_399 : i32
        %lt3A_413 = arith.cmpi slt, %get3A_410, %select_n3A_400 : i32
        %and3A_414 = arith.andi %eq3A_412, %lt3A_413 : i1
        %or3A_415 = arith.ori %gt3A_411, %and3A_414 : i1
        %select_n3A_416 = arith.select %or3A_415, %get3A_404, %select_n3A_399 : i32
        %select_n3A_417 = arith.select %or3A_415, %get3A_410, %select_n3A_400 : i32
        %add3A_418 = arith.constant 6 : i32
        %add3A_419 = arith.addi %select_n3A_330, %add3A_418 : i32
        %get3A_420 = arith.index_cast %add3A_419 : i32 to index
        %get3A_421 = memref.load %arg15[%get3A_420] : memref<70xi32, #tpu.memory_space<smem>>
        %add3A_422 = arith.constant 6 : i32
        %add3A_423 = arith.addi %select_n3A_330, %add3A_422 : i32
        %add3A_424 = arith.constant 1 : i32
        %add3A_425 = arith.addi %add3A_423, %add3A_424 : i32
        %get3A_426 = arith.index_cast %add3A_425 : i32 to index
        %get3A_427 = memref.load %arg15[%get3A_426] : memref<70xi32, #tpu.memory_space<smem>>
        %gt3A_428 = arith.cmpi sgt, %get3A_421, %select_n3A_416 : i32
        %eq3A_429 = arith.cmpi eq, %get3A_421, %select_n3A_416 : i32
        %lt3A_430 = arith.cmpi slt, %get3A_427, %select_n3A_417 : i32
        %and3A_431 = arith.andi %eq3A_429, %lt3A_430 : i1
        %or3A_432 = arith.ori %gt3A_428, %and3A_431 : i1
        %select_n3A_433 = arith.select %or3A_432, %get3A_421, %select_n3A_416 : i32
        %select_n3A_434 = arith.select %or3A_432, %get3A_427, %select_n3A_417 : i32
        %add3A_435 = arith.constant 8 : i32
        %add3A_436 = arith.addi %select_n3A_330, %add3A_435 : i32
        %get3A_437 = arith.index_cast %add3A_436 : i32 to index
        %get3A_438 = memref.load %arg15[%get3A_437] : memref<70xi32, #tpu.memory_space<smem>>
        %add3A_439 = arith.constant 8 : i32
        %add3A_440 = arith.addi %select_n3A_330, %add3A_439 : i32
        %add3A_441 = arith.constant 1 : i32
        %add3A_442 = arith.addi %add3A_440, %add3A_441 : i32
        %get3A_443 = arith.index_cast %add3A_442 : i32 to index
        %get3A_444 = memref.load %arg15[%get3A_443] : memref<70xi32, #tpu.memory_space<smem>>
        %gt3A_445 = arith.cmpi sgt, %get3A_438, %select_n3A_433 : i32
        %eq3A_446 = arith.cmpi eq, %get3A_438, %select_n3A_433 : i32
        %lt3A_447 = arith.cmpi slt, %get3A_444, %select_n3A_434 : i32
        %and3A_448 = arith.andi %eq3A_446, %lt3A_447 : i1
        %or3A_449 = arith.ori %gt3A_445, %and3A_448 : i1
        %select_n3A_450 = arith.select %or3A_449, %get3A_438, %select_n3A_433 : i32
        %select_n3A_451 = arith.select %or3A_449, %get3A_444, %select_n3A_434 : i32
        %add3A_452 = arith.constant 10 : i32
        %add3A_453 = arith.addi %select_n3A_330, %add3A_452 : i32
        %get3A_454 = arith.index_cast %add3A_453 : i32 to index
        %get3A_455 = memref.load %arg15[%get3A_454] : memref<70xi32, #tpu.memory_space<smem>>
        %add3A_456 = arith.constant 10 : i32
        %add3A_457 = arith.addi %select_n3A_330, %add3A_456 : i32
        %add3A_458 = arith.constant 1 : i32
        %add3A_459 = arith.addi %add3A_457, %add3A_458 : i32
        %get3A_460 = arith.index_cast %add3A_459 : i32 to index
        %get3A_461 = memref.load %arg15[%get3A_460] : memref<70xi32, #tpu.memory_space<smem>>
        %gt3A_462 = arith.cmpi sgt, %get3A_455, %select_n3A_450 : i32
        %eq3A_463 = arith.cmpi eq, %get3A_455, %select_n3A_450 : i32
        %lt3A_464 = arith.cmpi slt, %get3A_461, %select_n3A_451 : i32
        %and3A_465 = arith.andi %eq3A_463, %lt3A_464 : i1
        %or3A_466 = arith.ori %gt3A_462, %and3A_465 : i1
        %select_n3A_467 = arith.select %or3A_466, %get3A_455, %select_n3A_450 : i32
        %select_n3A_468 = arith.select %or3A_466, %get3A_461, %select_n3A_451 : i32
        %add3A_469 = arith.constant 12 : i32
        %add3A_470 = arith.addi %select_n3A_330, %add3A_469 : i32
        %get3A_471 = arith.index_cast %add3A_470 : i32 to index
        %get3A_472 = memref.load %arg15[%get3A_471] : memref<70xi32, #tpu.memory_space<smem>>
        %add3A_473 = arith.constant 12 : i32
        %add3A_474 = arith.addi %select_n3A_330, %add3A_473 : i32
        %add3A_475 = arith.constant 1 : i32
        %add3A_476 = arith.addi %add3A_474, %add3A_475 : i32
        %get3A_477 = arith.index_cast %add3A_476 : i32 to index
        %get3A_478 = memref.load %arg15[%get3A_477] : memref<70xi32, #tpu.memory_space<smem>>
        %gt3A_479 = arith.cmpi sgt, %get3A_472, %select_n3A_467 : i32
        %eq3A_480 = arith.cmpi eq, %get3A_472, %select_n3A_467 : i32
        %lt3A_481 = arith.cmpi slt, %get3A_478, %select_n3A_468 : i32
        %and3A_482 = arith.andi %eq3A_480, %lt3A_481 : i1
        %or3A_483 = arith.ori %gt3A_479, %and3A_482 : i1
        %select_n3A_484 = arith.select %or3A_483, %get3A_472, %select_n3A_467 : i32
        %select_n3A_485 = arith.select %or3A_483, %get3A_478, %select_n3A_468 : i32
        %add3A_486 = arith.constant 14 : i32
        %add3A_487 = arith.addi %select_n3A_330, %add3A_486 : i32
        %get3A_488 = arith.index_cast %add3A_487 : i32 to index
        %get3A_489 = memref.load %arg15[%get3A_488] : memref<70xi32, #tpu.memory_space<smem>>
        %add3A_490 = arith.constant 14 : i32
        %add3A_491 = arith.addi %select_n3A_330, %add3A_490 : i32
        %add3A_492 = arith.constant 1 : i32
        %add3A_493 = arith.addi %add3A_491, %add3A_492 : i32
        %get3A_494 = arith.index_cast %add3A_493 : i32 to index
        %get3A_495 = memref.load %arg15[%get3A_494] : memref<70xi32, #tpu.memory_space<smem>>
        %gt3A_496 = arith.cmpi sgt, %get3A_489, %select_n3A_484 : i32
        %eq3A_497 = arith.cmpi eq, %get3A_489, %select_n3A_484 : i32
        %lt3A_498 = arith.cmpi slt, %get3A_495, %select_n3A_485 : i32
        %and3A_499 = arith.andi %eq3A_497, %lt3A_498 : i1
        %or3A_500 = arith.ori %gt3A_496, %and3A_499 : i1
        %select_n3A_501 = arith.select %or3A_500, %get3A_489, %select_n3A_484 : i32
        %select_n3A_502 = arith.select %or3A_500, %get3A_495, %select_n3A_485 : i32
        %add3A_503 = arith.constant 16 : i32
        %add3A_504 = arith.addi %select_n3A_330, %add3A_503 : i32
        %get3A_505 = arith.index_cast %add3A_504 : i32 to index
        %get3A_506 = memref.load %arg15[%get3A_505] : memref<70xi32, #tpu.memory_space<smem>>
        %add3A_507 = arith.constant 16 : i32
        %add3A_508 = arith.addi %select_n3A_330, %add3A_507 : i32
        %add3A_509 = arith.constant 1 : i32
        %add3A_510 = arith.addi %add3A_508, %add3A_509 : i32
        %get3A_511 = arith.index_cast %add3A_510 : i32 to index
        %get3A_512 = memref.load %arg15[%get3A_511] : memref<70xi32, #tpu.memory_space<smem>>
        %gt3A_513 = arith.cmpi sgt, %get3A_506, %select_n3A_501 : i32
        %eq3A_514 = arith.cmpi eq, %get3A_506, %select_n3A_501 : i32
        %lt3A_515 = arith.cmpi slt, %get3A_512, %select_n3A_502 : i32
        %and3A_516 = arith.andi %eq3A_514, %lt3A_515 : i1
        %or3A_517 = arith.ori %gt3A_513, %and3A_516 : i1
        %select_n3A_518 = arith.select %or3A_517, %get3A_506, %select_n3A_501 : i32
        %select_n3A_519 = arith.select %or3A_517, %get3A_512, %select_n3A_502 : i32
        %add3A_520 = arith.constant 18 : i32
        %add3A_521 = arith.addi %select_n3A_330, %add3A_520 : i32
        %get3A_522 = arith.index_cast %add3A_521 : i32 to index
        %get3A_523 = memref.load %arg15[%get3A_522] : memref<70xi32, #tpu.memory_space<smem>>
        %add3A_524 = arith.constant 18 : i32
        %add3A_525 = arith.addi %select_n3A_330, %add3A_524 : i32
        %add3A_526 = arith.constant 1 : i32
        %add3A_527 = arith.addi %add3A_525, %add3A_526 : i32
        %get3A_528 = arith.index_cast %add3A_527 : i32 to index
        %get3A_529 = memref.load %arg15[%get3A_528] : memref<70xi32, #tpu.memory_space<smem>>
        %gt3A_530 = arith.cmpi sgt, %get3A_523, %select_n3A_518 : i32
        %eq3A_531 = arith.cmpi eq, %get3A_523, %select_n3A_518 : i32
        %lt3A_532 = arith.cmpi slt, %get3A_529, %select_n3A_519 : i32
        %and3A_533 = arith.andi %eq3A_531, %lt3A_532 : i1
        %or3A_534 = arith.ori %gt3A_530, %and3A_533 : i1
        %select_n3A_535 = arith.select %or3A_534, %get3A_523, %select_n3A_518 : i32
        %select_n3A_536 = arith.select %or3A_534, %get3A_529, %select_n3A_519 : i32
        %add3A_537 = arith.constant 20 : i32
        %add3A_538 = arith.addi %select_n3A_330, %add3A_537 : i32
        %get3A_539 = arith.index_cast %add3A_538 : i32 to index
        %get3A_540 = memref.load %arg15[%get3A_539] : memref<70xi32, #tpu.memory_space<smem>>
        %add3A_541 = arith.constant 20 : i32
        %add3A_542 = arith.addi %select_n3A_330, %add3A_541 : i32
        %add3A_543 = arith.constant 1 : i32
        %add3A_544 = arith.addi %add3A_542, %add3A_543 : i32
        %get3A_545 = arith.index_cast %add3A_544 : i32 to index
        %get3A_546 = memref.load %arg15[%get3A_545] : memref<70xi32, #tpu.memory_space<smem>>
        %gt3A_547 = arith.cmpi sgt, %get3A_540, %select_n3A_535 : i32
        %eq3A_548 = arith.cmpi eq, %get3A_540, %select_n3A_535 : i32
        %lt3A_549 = arith.cmpi slt, %get3A_546, %select_n3A_536 : i32
        %and3A_550 = arith.andi %eq3A_548, %lt3A_549 : i1
        %or3A_551 = arith.ori %gt3A_547, %and3A_550 : i1
        %select_n3A_552 = arith.select %or3A_551, %get3A_540, %select_n3A_535 : i32
        %select_n3A_553 = arith.select %or3A_551, %get3A_546, %select_n3A_536 : i32
        %add3A_554 = arith.constant 22 : i32
        %add3A_555 = arith.addi %select_n3A_330, %add3A_554 : i32
        %get3A_556 = arith.index_cast %add3A_555 : i32 to index
        %get3A_557 = memref.load %arg15[%get3A_556] : memref<70xi32, #tpu.memory_space<smem>>
        %add3A_558 = arith.constant 22 : i32
        %add3A_559 = arith.addi %select_n3A_330, %add3A_558 : i32
        %add3A_560 = arith.constant 1 : i32
        %add3A_561 = arith.addi %add3A_559, %add3A_560 : i32
        %get3A_562 = arith.index_cast %add3A_561 : i32 to index
        %get3A_563 = memref.load %arg15[%get3A_562] : memref<70xi32, #tpu.memory_space<smem>>
        %gt3A_564 = arith.cmpi sgt, %get3A_557, %select_n3A_552 : i32
        %eq3A_565 = arith.cmpi eq, %get3A_557, %select_n3A_552 : i32
        %lt3A_566 = arith.cmpi slt, %get3A_563, %select_n3A_553 : i32
        %and3A_567 = arith.andi %eq3A_565, %lt3A_566 : i1
        %or3A_568 = arith.ori %gt3A_564, %and3A_567 : i1
        %select_n3A_569 = arith.select %or3A_568, %get3A_557, %select_n3A_552 : i32
        %select_n3A_570 = arith.select %or3A_568, %get3A_563, %select_n3A_553 : i32
        %add3A_571 = arith.constant 24 : i32
        %add3A_572 = arith.addi %select_n3A_330, %add3A_571 : i32
        %get3A_573 = arith.index_cast %add3A_572 : i32 to index
        %get3A_574 = memref.load %arg15[%get3A_573] : memref<70xi32, #tpu.memory_space<smem>>
        %add3A_575 = arith.constant 24 : i32
        %add3A_576 = arith.addi %select_n3A_330, %add3A_575 : i32
        %add3A_577 = arith.constant 1 : i32
        %add3A_578 = arith.addi %add3A_576, %add3A_577 : i32
        %get3A_579 = arith.index_cast %add3A_578 : i32 to index
        %get3A_580 = memref.load %arg15[%get3A_579] : memref<70xi32, #tpu.memory_space<smem>>
        %gt3A_581 = arith.cmpi sgt, %get3A_574, %select_n3A_569 : i32
        %eq3A_582 = arith.cmpi eq, %get3A_574, %select_n3A_569 : i32
        %lt3A_583 = arith.cmpi slt, %get3A_580, %select_n3A_570 : i32
        %and3A_584 = arith.andi %eq3A_582, %lt3A_583 : i1
        %or3A_585 = arith.ori %gt3A_581, %and3A_584 : i1
        %select_n3A_586 = arith.select %or3A_585, %get3A_574, %select_n3A_569 : i32
        %select_n3A_587 = arith.select %or3A_585, %get3A_580, %select_n3A_570 : i32
        %add3A_588 = arith.constant 26 : i32
        %add3A_589 = arith.addi %select_n3A_330, %add3A_588 : i32
        %get3A_590 = arith.index_cast %add3A_589 : i32 to index
        %get3A_591 = memref.load %arg15[%get3A_590] : memref<70xi32, #tpu.memory_space<smem>>
        %add3A_592 = arith.constant 26 : i32
        %add3A_593 = arith.addi %select_n3A_330, %add3A_592 : i32
        %add3A_594 = arith.constant 1 : i32
        %add3A_595 = arith.addi %add3A_593, %add3A_594 : i32
        %get3A_596 = arith.index_cast %add3A_595 : i32 to index
        %get3A_597 = memref.load %arg15[%get3A_596] : memref<70xi32, #tpu.memory_space<smem>>
        %gt3A_598 = arith.cmpi sgt, %get3A_591, %select_n3A_586 : i32
        %eq3A_599 = arith.cmpi eq, %get3A_591, %select_n3A_586 : i32
        %lt3A_600 = arith.cmpi slt, %get3A_597, %select_n3A_587 : i32
        %and3A_601 = arith.andi %eq3A_599, %lt3A_600 : i1
        %or3A_602 = arith.ori %gt3A_598, %and3A_601 : i1
        %select_n3A_603 = arith.select %or3A_602, %get3A_591, %select_n3A_586 : i32
        %select_n3A_604 = arith.select %or3A_602, %get3A_597, %select_n3A_587 : i32
        %add3A_605 = arith.constant 28 : i32
        %add3A_606 = arith.addi %select_n3A_330, %add3A_605 : i32
        %get3A_607 = arith.index_cast %add3A_606 : i32 to index
        %get3A_608 = memref.load %arg15[%get3A_607] : memref<70xi32, #tpu.memory_space<smem>>
        %add3A_609 = arith.constant 28 : i32
        %add3A_610 = arith.addi %select_n3A_330, %add3A_609 : i32
        %add3A_611 = arith.constant 1 : i32
        %add3A_612 = arith.addi %add3A_610, %add3A_611 : i32
        %get3A_613 = arith.index_cast %add3A_612 : i32 to index
        %get3A_614 = memref.load %arg15[%get3A_613] : memref<70xi32, #tpu.memory_space<smem>>
        %gt3A_615 = arith.cmpi sgt, %get3A_608, %select_n3A_603 : i32
        %eq3A_616 = arith.cmpi eq, %get3A_608, %select_n3A_603 : i32
        %lt3A_617 = arith.cmpi slt, %get3A_614, %select_n3A_604 : i32
        %and3A_618 = arith.andi %eq3A_616, %lt3A_617 : i1
        %or3A_619 = arith.ori %gt3A_615, %and3A_618 : i1
        %select_n3A_620 = arith.select %or3A_619, %get3A_608, %select_n3A_603 : i32
        %select_n3A_621 = arith.select %or3A_619, %get3A_614, %select_n3A_604 : i32
        %add3A_622 = arith.constant 30 : i32
        %add3A_623 = arith.addi %select_n3A_330, %add3A_622 : i32
        %get3A_624 = arith.index_cast %add3A_623 : i32 to index
        %get3A_625 = memref.load %arg15[%get3A_624] : memref<70xi32, #tpu.memory_space<smem>>
        %add3A_626 = arith.constant 30 : i32
        %add3A_627 = arith.addi %select_n3A_330, %add3A_626 : i32
        %add3A_628 = arith.constant 1 : i32
        %add3A_629 = arith.addi %add3A_627, %add3A_628 : i32
        %get3A_630 = arith.index_cast %add3A_629 : i32 to index
        %get3A_631 = memref.load %arg15[%get3A_630] : memref<70xi32, #tpu.memory_space<smem>>
        %gt3A_632 = arith.cmpi sgt, %get3A_625, %select_n3A_620 : i32
        %eq3A_633 = arith.cmpi eq, %get3A_625, %select_n3A_620 : i32
        %lt3A_634 = arith.cmpi slt, %get3A_631, %select_n3A_621 : i32
        %and3A_635 = arith.andi %eq3A_633, %lt3A_634 : i1
        %or3A_636 = arith.ori %gt3A_632, %and3A_635 : i1
        %select_n3A_637 = arith.select %or3A_636, %get3A_625, %select_n3A_620 : i32
        %select_n3A_638 = arith.select %or3A_636, %get3A_631, %select_n3A_621 : i32
        %swap3A_639 = arith.index_cast %select_n3A_349 : i32 to index
        %swap3A_640 = memref.load %arg15[%swap3A_639] : memref<70xi32, #tpu.memory_space<smem>>
        memref.store %select_n3A_637, %arg15[%swap3A_639] : memref<70xi32, #tpu.memory_space<smem>>
        %add3A_641 = arith.constant 1 : i32
        %add3A_642 = arith.addi %select_n3A_349, %add3A_641 : i32
        %swap3A_643 = arith.index_cast %add3A_642 : i32 to index
        %swap3A_644 = memref.load %arg15[%swap3A_643] : memref<70xi32, #tpu.memory_space<smem>>
        memref.store %select_n3A_638, %arg15[%swap3A_643] : memref<70xi32, #tpu.memory_space<smem>>
      } else {
      }
      %barrier3A_353 = arith.constant 0 : index
      tpu.barrier barrier_id(%barrier3A_353)
      %sc_fetch_and_add3A_354 = arith.constant 0 : i32
      %sc_fetch_and_add3A_355 = arith.constant 0 : i32
      %sc_fetch_and_add3A_356 = tpu.fetch_and_add_sync %arg15[%select_n3A_349], %sc_fetch_and_add3A_354, %sc_fetch_and_add3A_355 : memref<70xi32, #tpu.memory_space<smem>>, i32 -> i32
      %add3A_357 = arith.constant 1 : i32
      %add3A_358 = arith.addi %select_n3A_349, %add3A_357 : i32
      %sc_fetch_and_add3A_359 = arith.constant 0 : i32
      %sc_fetch_and_add3A_360 = arith.constant 0 : i32
      %sc_fetch_and_add3A_361 = tpu.fetch_and_add_sync %arg15[%add3A_358], %sc_fetch_and_add3A_359, %sc_fetch_and_add3A_360 : memref<70xi32, #tpu.memory_space<smem>>, i32 -> i32
      %ne3A = arith.constant -8388608 : i32
      %ne3A_362 = arith.cmpi ne, %sc_fetch_and_add3A_356, %ne3A : i32
      %broadcast_in_dim3A_363 = vector.broadcast %sc_fetch_and_add3A_361 : i32 to vector<16xi32>
      %gather3A = tpu.vector_load_idx %arg8[%broadcast_in_dim3A_363] : memref<20480xf32, #tpu.memory_space<vmem>>[vector<16xi32>], vector<16xf32>,
      %gather3A_364 = tpu.vector_load_idx %arg9[%broadcast_in_dim3A_363] : memref<20480xf32, #tpu.memory_space<vmem>>[vector<16xi32>], vector<16xf32>,
      %gather3A_365 = tpu.vector_load_idx %arg10[%broadcast_in_dim3A_363] : memref<20480xf32, #tpu.memory_space<vmem>>[vector<16xi32>], vector<16xf32>,
      %gather3A_366 = tpu.vector_load_idx %arg11[%broadcast_in_dim3A_363] : memref<20480xf32, #tpu.memory_space<vmem>>[vector<16xi32>], vector<16xf32>,
      %sub3A_367 = arith.subf %gather3A_365, %gather3A : vector<16xf32>
      %sub3A_368 = arith.subf %gather3A_366, %gather3A_364 : vector<16xf32>
      %mul3A_369 = arith.mulf %sub3A_367, %sub3A_368 : vector<16xf32>
      %broadcast_in_dim3A_370 = vector.broadcast %sc_fetch_and_add3A_356 : i32 to vector<16xi32>
      %bitcast3A_371 = vector.bitcast %broadcast_in_dim3A_370 : vector<16xi32> to vector<16xf32>
      %convert_element_type3A_372 = arith.extui %eq3A_0 : i1 to i32
      %cond3A_373 = arith.constant 0 : i32
      %cond3A_374 = arith.cmpi ne, %convert_element_type3A_372, %cond3A_373 : i32
      scf.if %cond3A_374 {
        %eq3A_383 = arith.constant 0 : i32
        %eq3A_384 = vector.broadcast %eq3A_383 : i32 to vector<16xi32>
        %eq3A_385 = arith.cmpi eq, %iota3A, %eq3A_384 : vector<16xi32>
        %eq3A_386 = arith.constant 1 : i32
        %eq3A_387 = vector.broadcast %eq3A_386 : i32 to vector<16xi32>
        %eq3A_388 = arith.cmpi eq, %iota3A, %eq3A_387 : vector<16xi32>
        %eq3A_389 = arith.constant 2 : i32
        %eq3A_390 = vector.broadcast %eq3A_389 : i32 to vector<16xi32>
        %eq3A_391 = arith.cmpi eq, %iota3A, %eq3A_390 : vector<16xi32>
        %eq3A_392 = arith.constant 3 : i32
        %eq3A_393 = vector.broadcast %eq3A_392 : i32 to vector<16xi32>
        %eq3A_394 = arith.cmpi eq, %iota3A, %eq3A_393 : vector<16xi32>
        %eq3A_395 = arith.constant 4 : i32
        %eq3A_396 = vector.broadcast %eq3A_395 : i32 to vector<16xi32>
        %eq3A_397 = arith.cmpi eq, %iota3A, %eq3A_396 : vector<16xi32>
        %broadcast_in_dim3A_398 = vector.broadcast %scan3A : f32 to vector<16xf32>
        %select_n3A_399 = arith.select %eq3A_397, %bitcast3A_371, %broadcast_in_dim3A_398 : vector<16xi1>, vector<16xf32>
        %select_n3A_400 = arith.select %eq3A_394, %gather3A_366, %select_n3A_399 : vector<16xi1>, vector<16xf32>
        %select_n3A_401 = arith.select %eq3A_391, %gather3A_365, %select_n3A_400 : vector<16xi1>, vector<16xf32>
        %select_n3A_402 = arith.select %eq3A_388, %gather3A_364, %select_n3A_401 : vector<16xi1>, vector<16xf32>
        %select_n3A_403 = arith.select %eq3A_385, %gather3A, %select_n3A_402 : vector<16xi1>, vector<16xf32>
        %broadcast_in_dim3A_404 = vector.broadcast %scan3A : f32 to vector<16xf32>
        %select_n3A_405 = arith.select %ne3A_362, %select_n3A_403, %broadcast_in_dim3A_404 : vector<16xf32>
        %mul3A_406 = arith.constant 16 : i32
        %mul3A_407 = arith.muli %scan3A_299, %mul3A_406 : i32
        %multiple_of3A = tpu.assume_multiple %mul3A_407, 16 : i32
        %swap3A_408 = arith.index_cast %multiple_of3A : i32 to index
        %swap3A_409 = tpu.vector_load %arg14[%swap3A_408] {strides = array<i32>} : memref<1600xf32, #tpu.memory_space<vmem>>, vector<16xf32>,
        tpu.vector_store %arg14[%swap3A_408], %select_n3A_405 {strides = array<i32>} : memref<1600xf32, #tpu.memory_space<vmem>>, vector<16xf32>,
      } else {
      }
      %iota3A_375 = tpu.iota {dimensions = array<i32: 0>} : vector<16xi32>
      %broadcast_in_dim3A_376 = arith.constant 0xFF800000 : f32
      %broadcast_in_dim3A_377 = vector.broadcast %broadcast_in_dim3A_376 : f32 to vector<16xf32>
      %broadcast_in_dim3A_378 = vector.broadcast %mul3A_1 : i32 to vector<16xi32>
      %parallel_loop3A_379 = arith.constant 0 : i32
      %parallel_loop3A_380 = arith.constant 80 : i32
      %parallel_loop3A_381 = arith.constant 1 : i32
      %parallel_loop3A_382:2 = scf.for %parallel_loop3A_383 = %parallel_loop3A_379 to %parallel_loop3A_380 step %parallel_loop3A_381 iter_args(%parallel_loop3A_384 = %broadcast_in_dim3A_377, %parallel_loop3A_385 = %broadcast_in_dim3A_378) -> (vector<16xf32>, vector<16xi32>)  : i32 {
        %parallel_loop3A_386 = arith.constant 16 : i32
        %parallel_loop3A_387 = arith.muli %parallel_loop3A_383, %parallel_loop3A_386 : i32
        %parallel_loop3A_388 = tpu.assume_multiple %parallel_loop3A_387, 16 : i32
        %parallel_loop3A_389 = arith.addi %mul3A_1, %parallel_loop3A_388 : i32
        %parallel_loop3A_390 = arith.index_cast %parallel_loop3A_389 : i32 to index
        %parallel_loop3A_391 = tpu.vector_load %arg8[%parallel_loop3A_390] {strides = array<i32>} : memref<20480xf32, #tpu.memory_space<vmem>>, vector<16xf32>,
        %parallel_loop3A_392 = arith.index_cast %parallel_loop3A_389 : i32 to index
        %parallel_loop3A_393 = tpu.vector_load %arg9[%parallel_loop3A_392] {strides = array<i32>} : memref<20480xf32, #tpu.memory_space<vmem>>, vector<16xf32>,
        %parallel_loop3A_394 = arith.index_cast %parallel_loop3A_389 : i32 to index
        %parallel_loop3A_395 = tpu.vector_load %arg10[%parallel_loop3A_394] {strides = array<i32>} : memref<20480xf32, #tpu.memory_space<vmem>>, vector<16xf32>,
        %parallel_loop3A_396 = arith.index_cast %parallel_loop3A_389 : i32 to index
        %parallel_loop3A_397 = tpu.vector_load %arg11[%parallel_loop3A_396] {strides = array<i32>} : memref<20480xf32, #tpu.memory_space<vmem>>, vector<16xf32>,
        %parallel_loop3A_398 = arith.index_cast %parallel_loop3A_388 : i32 to index
        %parallel_loop3A_399 = tpu.vector_load %arg12[%parallel_loop3A_398] {strides = array<i32>} : memref<1280xf32, #tpu.memory_space<vmem>>, vector<16xf32>,
        %parallel_loop3A_400 = arith.index_cast %parallel_loop3A_388 : i32 to index
        %parallel_loop3A_401 = tpu.vector_load %arg13[%parallel_loop3A_400] {strides = array<i32>} : memref<1280xf32, #tpu.memory_space<vmem>>, vector<16xf32>,
        %parallel_loop3A_402 = arith.maximumf %gather3A, %parallel_loop3A_391 : vector<16xf32>
        %parallel_loop3A_403 = arith.maximumf %gather3A_364, %parallel_loop3A_393 : vector<16xf32>
        %parallel_loop3A_404 = arith.minimumf %gather3A_365, %parallel_loop3A_395 : vector<16xf32>
        %parallel_loop3A_405 = arith.minimumf %gather3A_366, %parallel_loop3A_397 : vector<16xf32>
        %parallel_loop3A_406 = arith.subf %parallel_loop3A_404, %parallel_loop3A_402 : vector<16xf32>
        %parallel_loop3A_407 = arith.constant 0.000000e+00 : f32
        %parallel_loop3A_408 = vector.broadcast %parallel_loop3A_407 : f32 to vector<16xf32>
        %parallel_loop3A_409 = arith.maximumf %parallel_loop3A_406, %parallel_loop3A_408 : vector<16xf32>
        %parallel_loop3A_410 = arith.subf %parallel_loop3A_405, %parallel_loop3A_403 : vector<16xf32>
        %parallel_loop3A_411 = arith.constant 0.000000e+00 : f32
        %parallel_loop3A_412 = vector.broadcast %parallel_loop3A_411 : f32 to vector<16xf32>
        %parallel_loop3A_413 = arith.maximumf %parallel_loop3A_410, %parallel_loop3A_412 : vector<16xf32>
        %parallel_loop3A_414 = arith.mulf %parallel_loop3A_409, %parallel_loop3A_413 : vector<16xf32>
        %parallel_loop3A_415 = arith.addf %mul3A_369, %parallel_loop3A_401 : vector<16xf32>
        %parallel_loop3A_416 = arith.subf %parallel_loop3A_415, %parallel_loop3A_414 : vector<16xf32>
        %parallel_loop3A_417 = arith.constant 9.99999971E-10 : f32
        %parallel_loop3A_418 = vector.broadcast %parallel_loop3A_417 : f32 to vector<16xf32>
        %parallel_loop3A_419 = arith.addf %parallel_loop3A_416, %parallel_loop3A_418 : vector<16xf32>
        %parallel_loop3A_420 = arith.divf %parallel_loop3A_414, %parallel_loop3A_419 : vector<16xf32>
        %parallel_loop3A_421 = arith.constant 5.000000e-01 : f32
        %parallel_loop3A_422 = vector.broadcast %parallel_loop3A_421 : f32 to vector<16xf32>
        %parallel_loop3A_423 = arith.cmpf ogt, %parallel_loop3A_420, %parallel_loop3A_422 : vector<16xf32>
        %parallel_loop3A_424 = arith.constant 0xFF800000 : f32
        %parallel_loop3A_425 = vector.broadcast %parallel_loop3A_424 : f32 to vector<16xf32>
        %parallel_loop3A_426 = arith.select %parallel_loop3A_423, %parallel_loop3A_425, %parallel_loop3A_399 : vector<16xi1>, vector<16xf32>
        %parallel_loop3A_427 = arith.index_cast %parallel_loop3A_388 : i32 to index
        %parallel_loop3A_428 = tpu.vector_load %arg12[%parallel_loop3A_427] {strides = array<i32>} : memref<1280xf32, #tpu.memory_space<vmem>>, vector<16xf32>,
        tpu.vector_store %arg12[%parallel_loop3A_427], %parallel_loop3A_426 {strides = array<i32>} : memref<1280xf32, #tpu.memory_space<vmem>>, vector<16xf32>,
        %parallel_loop3A_429 = arith.addi %mul3A_1, %parallel_loop3A_388 : i32
        %parallel_loop3A_430 = vector.broadcast %parallel_loop3A_429 : i32 to vector<16xi32>
        %parallel_loop3A_431 = arith.addi %parallel_loop3A_430, %iota3A_375 : vector<16xi32>
        %parallel_loop3A_432 = arith.cmpf ogt, %parallel_loop3A_426, %parallel_loop3A_384 : vector<16xf32>
        %parallel_loop3A_433 = arith.select %parallel_loop3A_432, %parallel_loop3A_426, %parallel_loop3A_384 : vector<16xi1>, vector<16xf32>
        %parallel_loop3A_434 = arith.select %parallel_loop3A_432, %parallel_loop3A_431, %parallel_loop3A_385 : vector<16xi1>, vector<16xi32>
        scf.yield %parallel_loop3A_433, %parallel_loop3A_434 : vector<16xf32>, vector<16xi32>
      } {sc.loop_unroll_factor = 4 : i64, sc.parallel_access}
      scf.yield %parallel_loop3A_382#0, %parallel_loop3A_382#1, %select_n3A_342, %select_n3A_343, %select_n3A_344, %select_n3A_345 : vector<16xf32>, vector<16xi32>, i32, i32, i32, i32
    }
    %scan3A_297 = arith.constant 100 : i32
    %convert_element_type3A = arith.extui %eq3A_0 : i1 to i32
    %cond3A = arith.constant 0 : i32
    %cond3A_298 = arith.cmpi ne, %convert_element_type3A, %cond3A : i32
    scf.if %cond3A_298 {
      "tpu.region"() ({
        %run_scoped3A = tpu.sem_alloc : memref<!tpu.dma_semaphore, #tpu.memory_space<semaphore_mem>>
        tpu.enqueue_dma source(%arg14 : memref<1600xf32, #tpu.memory_space<vmem>>) target(%arg7 : memref<1600xf32, #tpu.memory_space<hbm>>) target_semaphore(%run_scoped3A : memref<!tpu.dma_semaphore, #tpu.memory_space<semaphore_mem>>)
        tpu.wait_dma2 semaphore(%run_scoped3A : memref<!tpu.dma_semaphore, #tpu.memory_space<semaphore_mem>>) src(%arg14 : memref<1600xf32, #tpu.memory_space<vmem>>) dst(%arg7 : memref<1600xf32, #tpu.memory_space<hbm>>)
        tpu.yield
      }) : () -> ()
    } else {
    }
    return
  }
}

</mosaic_0001>

<sc_bundles>
// kernel: kernel.3.cloned.1.call-start
scs
__scs_entry_jumppad:
0x0: {  	(pc) =	sbr.rel $0x88, $3  }
0x1: {  	(tag) =	ssettag $0x0;
	lr =	simm.s32 $0x1  }
0x2: {  	[smem:$0x3F9F] =	sst lr;
	_ =	strace $0xD0000000  }
0x3: {  	_ = 	snop  }
0x4: {  	_ = 	snop  }
0x5: {  	_ = 	snop  }
0x6: {  	_ = 	snop  }
0x7: {  	_ = 	snop  }
__scs_overlays_trampoline_lowered:
0x8: {  	[smem:$0x3FAE] =	sst s0  }
0x9: {  	[smem:$0x3FAF] =	sst s1  }
0xa: {  	[smem:$0x3FB0] =	sst s2  }
0xb: {  	[smem:$0x3FB1] =	sst s3  }
0xc: {  	[smem:$0x3FB2] =	sst s4  }
0xd: {  	[smem:$0x3FB3] =	sst s5  }
0xe: {  	[smem:$0x3FB4] =	sst s6  }
0xf: {  	[smem:$0x3FB5] =	sst s7  }
0x10: {  	[smem:$0x3FB6] =	sst s8  }
0x11: {  	[smem:$0x3FB7] =	sst s9;
	s0 =	simm.s32 @!p0 $0x0  }
0x12: {  	s1 =	sld [smem:$0x3F9D];
	s0 =	simm.s32 @p0 $0x1  }
0x13: {  	[smem:$0x3FB8] =	sst s0;
	s0 =	simm.s32 @!p1 $0x0  }
0x14: {  	s2 =	sld [smem:$0x3F9C];
	s0 =	simm.s32 @p1 $0x1  }
0x15: {  	[smem:$0x3FB9] =	sst s0;
	s0 =	simm.s32 @!p2 $0x0  }
0x16: {  	s3 =	sld [smem:$0x3FDB];
	s0 =	simm.s32 @p2 $0x1  }
0x17: {  	s4 =	simm.s32 $0x1BF5;
	[smem:$0x3FBB] =	sst s0  }
0x18: {  	s0 =	sld [smem:$0x3F9E];
	_ =	swait.ge [sflag:s4], $0x0  }
0x19: {  	s7 =	sld [smem:$0x3F9F]  }
0x1a: {  	s8 =	sadd.s32 $0xFFFFE003, lr  }
0x1b: {  	s9 =	sadd.s32 $0xFFFFFEF7, lr;
	s5 =	simm.s32 $0xFFFFFFFF;
	p2 =	slt.u32 s8, $0xFFFFF086  }
0x1c: {  	p1 =	slt.u32 s9, $0xF7A;
	s5 =	simm.s32 @!p2 $0x0  }
0x1d: {  	s5 =	simm.s32 @p1 $0x1;
	p0 =	seq.s32 s7, s2  }
0x1e: {  	s7 =	smul.u32 @!p0 $0xF7A, s2;
	p2 =	seq.s32 @!p0 s5, $0x0  }
0x1f: {  	s9 =	smul.u32 $0xF7A, s1;
	s8 =	simm.s32 @!p0 $0x1BF5;
	p2 =	por !p2, p0  }
0x20: {  	[sflag:s8] =	ssyncset.s32 @!p0 $0xFFFFF086;
	s6 =	sadd.s32 @!p0 s3, s7;
	s7 =	simm.s32 @!p0 $0x108  }
0x21: {  	s3 =	sadd.s32 s3, s9;
	s6 =	sadd.s32 @!p0 $0x88, s6;
	s7 =	simm.s32 @p2 $0x1082  }
0x22: {  	[simem:s7], [sflag:s8] =	dma.local @!p0 [hbm:s6], $0xF7A  }
0x23: {  	s9 =	sor.u32 $0xD0000000, s2;
	s6 =	simm.s32 $0x108;
	_ =	swait.ge @!p0 [sflag:s8], $0x0  }
0x24: {  	s3 =	sadd.s32 $0x88, s3;
	s6 =	simm.s32 @!p1 $0x1082;
	[sflag:s4] =	ssyncset.s32 $0xFFFFF086  }
0x25: {  	[simem:s6], [sflag:s4] =	dma.local [hbm:s3], $0xF7A  }
0x26: {  	[smem:$0x3F9F] =	sst s1;
	(tag) =	ssettag s2;
	_ =	strace s9  }
0x27: {  	s1 =	sld [smem:$0x3FAF]  }
0x28: {  	s2 =	sld [smem:$0x3FB0]  }
0x29: {  	s4 =	sld [smem:$0x3FB2]  }
0x2a: {  	p0 =	seq.s32 s5, $0x0;
	s5 =	sld [smem:$0x3FB3]  }
0x2b: {  	s6 =	sld [smem:$0x3FB4]  }
0x2c: {  	s7 =	sld [smem:$0x3FB5]  }
0x2d: {  	s3 =	simm.s32 $0x108;
	s8 =	sld [smem:$0x3FB6]  }
0x2e: {  	s3 =	simm.s32 @!p0 $0x1082;
	s9 =	sld [smem:$0x3FB7]  }
0x2f: {  	lr =	sadd.s32 s0, s3;
	s0 =	sld [smem:$0x3FAE]  }
0x30: {  	s3 =	sld [smem:$0x3FB1]  }
0x31: {  	[smem:$0x3FBA] =	sst s10  }
0x32: {  	s10 =	sld [smem:$0x3FB8];
	_ =	sdelay $0x3  }
0x33: {  	p0 =	seq.s32 s10, $0x1;
	s10 =	sld [smem:$0x3FBA];
	_ =	sdelay $0x3  }
0x34: {  	[smem:$0x3FBA] =	sst s10  }
0x35: {  	s10 =	sld [smem:$0x3FB9];
	_ =	sdelay $0x3  }
0x36: {  	p1 =	seq.s32 s10, $0x1;
	s10 =	sld [smem:$0x3FBA];
	_ =	sdelay $0x3  }
0x37: {  	[smem:$0x3FBA] =	sst s10  }
0x38: {  	s10 =	sld [smem:$0x3FBB]  }
0x39: {  	_ = 	snop;
	(pc) =	sbr.ind lr, $3  }
0x3a: {  	_ = 	snop  }
0x3b: {  	_ = 	snop  }
0x3c: {  	p2 =	seq.s32 s10, $0x1;
	s10 =	sld [smem:$0x3FBA]  }
0x3d: {  	_ =	shalt  }
0x3e: {  	_ =	shalt  }
0x3f: {  	_ =	shalt  }
0x40: {  	_ =	shalt  }
0x41: {  	_ =	shalt  }
0x42: {  	_ =	shalt  }
0x43: {  	_ =	shalt  }
0x44: {  	_ =	shalt  }
0x45: {  	_ =	shalt  }
0x46: {  	_ =	shalt  }
0x47: {  	_ =	shalt  }
0x48: {  	_ =	shalt  }
0x49: {  	_ =	shalt  }
0x4a: {  	_ =	shalt  }
0x4b: {  	_ =	shalt  }
0x4c: {  	_ =	shalt  }
0x4d: {  	_ =	shalt  }
0x4e: {  	_ =	shalt  }
0x4f: {  	_ =	shalt  }
0x50: {  	_ =	shalt  }
0x51: {  	_ =	shalt  }
0x52: {  	_ =	shalt  }
0x53: {  	_ =	shalt  }
0x54: {  	_ =	shalt  }
0x55: {  	_ =	shalt  }
0x56: {  	_ =	shalt  }
0x57: {  	_ =	shalt  }
0x58: {  	_ =	shalt  }
0x59: {  	_ =	shalt  }
0x5a: {  	_ =	shalt  }
0x5b: {  	_ =	shalt  }
0x5c: {  	_ =	shalt  }
0x5d: {  	_ =	shalt  }
0x5e: {  	_ =	shalt  }
0x5f: {  	_ =	shalt  }
0x60: {  	_ =	shalt  }
0x61: {  	_ =	shalt  }
0x62: {  	_ =	shalt  }
0x63: {  	_ =	shalt  }
0x64: {  	_ =	shalt  }
0x65: {  	_ =	shalt  }
0x66: {  	_ =	shalt  }
0x67: {  	_ =	shalt  }
0x68: {  	_ =	shalt  }
0x69: {  	_ =	shalt  }
0x6a: {  	_ =	shalt  }
0x6b: {  	_ =	shalt  }
0x6c: {  	_ =	shalt  }
0x6d: {  	_ =	shalt  }
0x6e: {  	_ =	shalt  }
0x6f: {  	_ =	shalt  }
0x70: {  	_ =	shalt  }
0x71: {  	_ =	shalt  }
0x72: {  	_ =	shalt  }
0x73: {  	_ =	shalt  }
0x74: {  	_ =	shalt  }
0x75: {  	_ =	shalt  }
0x76: {  	_ =	shalt  }
0x77: {  	_ =	shalt  }
0x78: {  	_ =	shalt  }
0x79: {  	_ =	shalt  }
0x7a: {  	_ =	shalt  }
0x7b: {  	_ =	shalt  }
0x7c: {  	_ =	shalt  }
0x7d: {  	_ =	shalt  }
0x7e: {  	_ =	shalt  }
0x7f: {  	_ =	shalt  }
0x80: {  	_ =	shalt  }
0x81: {  	_ =	shalt  }
0x82: {  	_ =	shalt  }
0x83: {  	_ =	shalt  }
0x84: {  	_ =	shalt  }
0x85: {  	_ =	shalt  }
0x86: {  	_ =	shalt  }
0x87: {  	_ =	shalt  }
.Lfunc_end0:
.L_simem_size_0:
called_computation_lowered:
.L_overlay_start_0:
0x88: {  	s0 =	sld [smem:$0x3FD9]  }
0x89: {  	s1 =	sld [smem:$0x3FFE];
	_ =	sdelay $0x3  }
0x8a: {  	s0 =	sadd.s32 s1, s0  }
0x8b: {  	[smem:$0x3FC6] =	sst s0  }
0x8c: {  	_ = 	snop  }
0x8d: {  	(tm) =	ssettm $0x1  }
0x8e: {  	s15 =	sld [smem:$0x3FFB];
	_ =	sdelay $0x3  }
0x8f: {  	_ =	strace s15  }
0x90: {  	s0 =	sld [smem:$0x3FFC];
	_ =	sdelay $0x3  }
0x91: {  	_ =	strace s0  }
0x92: {  	s0 =	sld [smem:$0x3FFD];
	_ =	sdelay $0x3  }
0x93: {  	_ =	strace s0  }
0x94: {  	_ =	strace $0x8FFFFFFF  }
0x95: {  	s16 =	sld [smem:$0x3FDB];
	_ =	sdelay $0x1  }
0x96: {  	s17 =	simm.s32 $_scs_section_size  }
0x97: {  	s2 =	simm.s32 $_size__tile_overlayer_lowered;
	s3 =	simm.s32 $_tile_overlayer_lowered  }
0x98: {  	s20 =	simm.s32 $0x1BFF;
	s19 =	sshll.u32 s3, $0x1;
	s0 =	sadd.s32 s17, s16  }
0x99: {  	s4 =	simm.s32 $0x0;
	s18 =	sshll.u32 s2, $0x1;
	s2 =	sadd.s32 s19, s0  }
0x9a: {  	[timem:s4], [sflag:s20] =	dma.local [hbm:s2], s18  }
0x9b: {  	_ =	swait.ge [sflag:s20], s18  }
0x9c: {  	s1 =	ssub.s32 $0x0, s18;
	[sflag:s20] =	ssyncset.done $0x0  }
0x9d: {  	[sflag:s20] =	ssyncadd.s32 s1;
	_ =	sdelay $0x1  }
0x9e: {  	s21 =	simm.s32 $0x1B8B  }
0x9f: {  	_ =	swait.ge [sflag:s21], $0x1  }
0xa0: {  	[sflag:s21] =	ssyncset.done $0x0  }
0xa1: {  	s23 =	simm.s32 $0x1B8E;
	s22 =	sld [smem:$0x3FFE];
	[sflag:s21] =	ssyncadd.s32 $0xFFFFFFFF  }
0xa2: {  	s24 =	simm.s32 $execute0_lowered;
	[smem:$0x3FD2] =	sst s23  }
0xa3: {  	s2 =	sshll.u32 s24, $0x1;
	_ =	strace $0x80000046;
	[dreg:$0x1] =	wrdreg $0xFFFFFFFF  }
0xa4: {  	s25 =	simm.s32 $_size_execute0_lowered;
	s0 =	sadd.s32 s0, s2;
	[dreg:$0x0] =	wrdreg $0x0  }
0xa5: {  	s2 =	sshll.u32 s25, $0x1;
	[dreg:$0x2] =	wrdreg s0  }
0xa6: {  	[dreg:$0x3] =	wrdreg s2  }
0xa7: {  	[dreg:$0x4] =	wrdreg $0xC0  }
0xa8: {  	_ =	task [dreg:s4], $0x5FFFF  }
0xa9: {  	[dreg:$0x1] =	wrdreg $0xFFFFFFFF  }
0xaa: {  	[dreg:$0x0] =	wrdreg $0x60  }
0xab: {  	[dreg:$0x2] =	wrdreg s22  }
0xac: {  	[dreg:$0x3] =	wrdreg $0x9  }
0xad: {  	_ =	task.clear_ibuf [dreg:s4], $0x4FFFF;
	_ =	strace $0x90000046  }
0xae: {  	s26 =	simm.s32 $0x9;
	_ =	strace $0x80000048  }
0xaf: {  	_ =	swait.ge [sflag:s26], $0x1  }
0xb0: {  	[sflag:s26] =	ssyncadd.s32 $0xFFFFFFFF  }
0xb1: {  	_ =	strace $0x90000048  }
0xb2: {  	_ =	sfence  }
0xb3: {  	s28 =	sld [smem:$0x0];
	_ =	sdelay $0x1  }
0xb4: {  	s29 =	srdreg.scid  }
0xb5: {  	s30 =	sshll.u32 s29, $0xD;
	s31 =	sshrl.u32 s29, $0x2  }
0xb6: {  	s1 =	sand.u32 $0x1, s29;
	s2 =	sand.u32 $0x4000, s30;
	s0 =	sadd.s32 s31, s28  }
0xb7: {  	s1 =	sor.u32 s2, s1;
	s0 =	sshll.u32 s0, $0x11  }
0xb8: {  	s0 =	sor.u32 s0, s1  }
0xb9: {  	s0 =	sadd.s32 $0x8F2B, s0  }
0xba: {  	[sflag:s0] =	ssyncadd.remote.s32 $0x1  }
0xbb: {  	_ =	sfence.sel $0xFFFF  }
0xbc: {  	[dreg:$0x0] =	wrdreg $0xFFFFFFFF;
	(pc) =	sbr.abs _section_cstart, $3  }
0xbd: {  	[dreg:$0x1] =	wrdreg $0xFFFFFFFF  }
0xbe: {  	_ =	task.clear_ibuf [dreg:s4], $0x2FFFF;
	_ =	strace $0x9FFFFFFF  }
0xbf: {  	(tm) =	ssettm $0x7FFFFFFF  }
tec
execute0_lowered:
.L_overlay_start_1:
0x0: {  	(tag) =	ssettag $0x1  }
0x1: {  	s3 =	simm.s32 $0x0  }
0x2: {  	[smem:$0x7FF] =	sst s3  }
0x3: {  	s2 =	rddreg [dreg:$0x0];
	s4 =	simm.s32 $0x1;
	_ =	strace $0x80000047  }
0x4: {  	[tilespmem:s3], [sflag:$0x1] =	stream.linear.gather [hbm4b:s2+s3], $0x5000, $0x38;
	[tilespmem:$0x15080] =	vst v63  }
0x5: {  	_ =	swait.ge [sflag:s4], $0x5000  }
0x6: {  	[sflag:s4] =	ssyncset.done $0x0  }
0x7: {  	s5 =	simm.s32 $0x5000;
	s1 =	sadd.s32 $0xA00, s2;
	[sflag:s4] =	ssyncadd.s32 $0xFFFFB000  }
0x8: {  	[tilespmem:s5], [sflag:$0x1] =	stream.linear.gather [hbm4b:s1+s3], $0x5000, $0x38;
	[tilespmem:$0x15080] =	vst v63  }
0x9: {  	_ =	swait.ge [sflag:s4], $0x5000  }
0xa: {  	[sflag:s4] =	ssyncset.done $0x0  }
0xb: {  	s14 =	simm.s32 $0xA000;
	s13 =	sadd.s32 $0x1400, s2;
	[sflag:s4] =	ssyncadd.s32 $0xFFFFB000  }
0xc: {  	[tilespmem:s14], [sflag:$0x1] =	stream.linear.gather [hbm4b:s13+s3], $0x5000, $0x38;
	[tilespmem:$0x15080] =	vst v63  }
0xd: {  	_ =	swait.ge [sflag:s4], $0x5000  }
0xe: {  	s7 =	simm.s32 $0xF000;
	s5 =	stileid.u32;
	[sflag:s4] =	ssyncset.done $0x0  }
0xf: {  	s6 =	sadd.s32 $0x1E00, s2;
	s1 =	smul.u32 $0x500, s5;
	[sflag:s4] =	ssyncadd.s32 $0xFFFFB000  }
0x10: {  	[tilespmem:s7], [sflag:$0x1] =	stream.linear.gather [hbm4b:s6+s3], $0x5000, $0x38;
	[tilespmem:$0x15080] =	vst v63  }
0x11: {  	s15 =	sshrl.u32 s1, $0x3;
	_ =	swait.ge [sflag:s4], $0x5000  }
0x12: {  	s6 =	sadd.s32 s15, s2;
	[sflag:s4] =	ssyncset.done $0x0  }
0x13: {  	s16 =	simm.s32 $0x14000;
	s6 =	sadd.s32 $0x2800, s6;
	[sflag:s4] =	ssyncadd.s32 $0xFFFFB000  }
0x14: {  	[tilespmem:s16], [sflag:$0x1] =	stream.linear.gather [hbm4b:s6+s3], $0x500, $0x38;
	[tilespmem:$0x15080] =	vst v63  }
0x15: {  	_ =	swait.ge [sflag:s4], $0x500  }
0x16: {  	[sflag:s4] =	ssyncset.done $0x0  }
0x17: {  	[sflag:s4] =	ssyncadd.s32 $0xFFFFFB00  }
0x18: {  	[smem:$0x0] =	sst s3  }
0x19: {  	[smem:$0x1] =	sst s3  }
0x1a: {  	[smem:$0x2] =	sst s3  }
0x1b: {  	[smem:$0x3] =	sst s3  }
0x1c: {  	[smem:$0x4] =	sst s3  }
0x1d: {  	[smem:$0x5] =	sst s3  }
0x1e: {  	[smem:$0x6] =	sst s3  }
0x1f: {  	[smem:$0x7] =	sst s3  }
0x20: {  	[smem:$0x8] =	sst s3  }
0x21: {  	[smem:$0x9] =	sst s3  }
0x22: {  	[smem:$0xA] =	sst s3  }
0x23: {  	[smem:$0xB] =	sst s3  }
0x24: {  	[smem:$0xC] =	sst s3  }
0x25: {  	[smem:$0xD] =	sst s3  }
0x26: {  	[smem:$0xE] =	sst s3  }
0x27: {  	[smem:$0xF] =	sst s3  }
0x28: {  	[smem:$0x10] =	sst s3  }
0x29: {  	[smem:$0x11] =	sst s3  }
0x2a: {  	[smem:$0x12] =	sst s3  }
0x2b: {  	[smem:$0x13] =	sst s3  }
0x2c: {  	[smem:$0x14] =	sst s3  }
0x2d: {  	[smem:$0x15] =	sst s3  }
0x2e: {  	[smem:$0x16] =	sst s3  }
0x2f: {  	[smem:$0x17] =	sst s3  }
0x30: {  	[smem:$0x18] =	sst s3  }
0x31: {  	[smem:$0x19] =	sst s3  }
0x32: {  	[smem:$0x1A] =	sst s3  }
0x33: {  	[smem:$0x1B] =	sst s3  }
0x34: {  	[smem:$0x1C] =	sst s3  }
0x35: {  	[smem:$0x1D] =	sst s3  }
0x36: {  	[smem:$0x1E] =	sst s3  }
0x37: {  	[smem:$0x1F] =	sst s3  }
0x38: {  	[smem:$0x20] =	sst s3  }
0x39: {  	[smem:$0x21] =	sst s3  }
0x3a: {  	[smem:$0x22] =	sst s3  }
0x3b: {  	[smem:$0x23] =	sst s3  }
0x3c: {  	[smem:$0x24] =	sst s3  }
0x3d: {  	[smem:$0x25] =	sst s3  }
0x3e: {  	[smem:$0x26] =	sst s3  }
0x3f: {  	[smem:$0x27] =	sst s3  }
0x40: {  	[smem:$0x28] =	sst s3  }
0x41: {  	[smem:$0x29] =	sst s3  }
0x42: {  	[smem:$0x2A] =	sst s3  }
0x43: {  	[smem:$0x2B] =	sst s3  }
0x44: {  	[smem:$0x2C] =	sst s3  }
0x45: {  	[smem:$0x2D] =	sst s3  }
0x46: {  	[smem:$0x2E] =	sst s3  }
0x47: {  	[smem:$0x2F] =	sst s3  }
0x48: {  	[smem:$0x30] =	sst s3  }
0x49: {  	[smem:$0x31] =	sst s3  }
0x4a: {  	[smem:$0x32] =	sst s3  }
0x4b: {  	[smem:$0x33] =	sst s3  }
0x4c: {  	[smem:$0x34] =	sst s3  }
0x4d: {  	[smem:$0x35] =	sst s3  }
0x4e: {  	[smem:$0x36] =	sst s3  }
0x4f: {  	[smem:$0x37] =	sst s3  }
0x50: {  	[smem:$0x38] =	sst s3  }
0x51: {  	[smem:$0x39] =	sst s3  }
0x52: {  	[smem:$0x3A] =	sst s3  }
0x53: {  	[smem:$0x3B] =	sst s3  }
0x54: {  	[smem:$0x3C] =	sst s3  }
0x55: {  	[smem:$0x3D] =	sst s3  }
0x56: {  	[smem:$0x3E] =	sst s3  }
0x57: {  	[smem:$0x3F] =	sst s3  }
0x58: {  	[smem:$0x40] =	sst s3  }
0x59: {  	[smem:$0x41] =	sst s3  }
0x5a: {  	[smem:$0x42] =	sst s3  }
0x5b: {  	[smem:$0x43] =	sst s3  }
0x5c: {  	s17 =	simm.s32 $0x30;
	s8 =	sadd.s32 $0x30, s1;
	[smem:$0x44] =	sst s3  }
0x5d: {  	s18 =	sand.u32 $0xFF80, s8;
	s4 =	sand.u32 $0x70, s17;
	[smem:$0x45] =	sst s3  }
0x5e: {  	s3 =	sor.u32 s4, s18;
	[bflag:$0x0] =	sbarrier.arrive $0xFFFF  }
0x5f: {  	v1 =	vld [tilespmem:s3+$0x0]  }
0x60: {  	s19 =	simm.s32 $0x20;
	s9 =	sadd.s32 $0xFFFFFFF0, s8;
	v2 =	vld [tilespmem:s3+$0x5000]  }
0x61: {  	s20 =	sand.u32 $0xFF80, s9;
	s4 =	sand.u32 $0x60, s19;
	v3 =	vld [tilespmem:s3+$0xA000]  }
0x62: {  	s4 =	sor.u32 s4, s20;
	v4 =	vld [tilespmem:s3+$0xF000]  }
0x63: {  	v5 =	vld [tilespmem:s4+$0x0]  }
0x64: {  	s21 =	simm.s32 $0x10;
	s11 =	sadd.s32 $0xFFFFFFE0, s8;
	v6 =	vld [tilespmem:s4+$0x5000]  }
0x65: {  	s22 =	sand.u32 $0xFF80, s11;
	s3 =	sand.u32 $0x50, s21;
	v7 =	vld [tilespmem:s4+$0xA000]  }
0x66: {  	v8 =	vld [tilespmem:s4+$0xF000];
	s3 =	sor.u32 s3, s22  }
0x67: {  	v9 =	vld [tilespmem:s3+$0x0]  }
0x68: {  	s23 =	simm.s32 $0x0;
	s10 =	sadd.s32 $0xFFFFFFD0, s8;
	v10 =	vld [tilespmem:s3+$0x5000]  }
0x69: {  	s24 =	sand.u32 $0xFF80, s10;
	s4 =	sand.u32 $0x40, s23;
	v11 =	vld [tilespmem:s3+$0xA000]  }
0x6a: {  	s4 =	sor.u32 s4, s24;
	v13 =	vld [tilespmem:s3+$0xF000]  }
0x6b: {  	v14 =	vld [tilespmem:s4+$0x0]  }
0x6c: {  	v17 =	vld [tilespmem:s4+$0x5000]  }
0x6d: {  	v12 =	vimm.f32 $-Inf;
	v18 =	vld [tilespmem:s4+$0xA000]  }
0x6e: {  	v0 =	vmov s1;
	v19 =	vld [tilespmem:s4+$0xF000];
	v15 =	vsub.f32 v3, v1;
	v16 =	vsub.f32 v4, v2  }
0x6f: {  	v2 =	vmax.f32 v2, $0.0e+00;
	v4 =	vmin.f32 v4, $0.0e+00;
	v20 =	vsub.f32 v8, v6  }
0x70: {  	v6 =	vmax.f32 v6, $0.0e+00;
	v8 =	vmin.f32 v8, $0.0e+00;
	v2 =	vsub.f32 v4, v2  }
0x71: {  	v4 =	vsub.f32 v7, v5;
	v5 =	vmax.f32 v5, $0.0e+00;
	v7 =	vmin.f32 v7, $0.0e+00  }
0x72: {  	v21 =	vsub.f32 v11, v9;
	v22 =	vsub.f32 v13, v10;
	v9 =	vmax.f32 v9, $0.0e+00  }
0x73: {  	v23 =	vsub.f32 v18, v14;
	v24 =	vsub.f32 v19, v17;
	v14 =	vmax.f32 v14, $0.0e+00  }
0x74: {  	v17 =	vmax.f32 v17, $0.0e+00;
	v18 =	vmin.f32 v18, $0.0e+00;
	v19 =	vmin.f32 v19, $0.0e+00  }
0x75: {  	v10 =	vmax.f32 v10, $0.0e+00;
	v14 =	vsub.f32 v18, v14;
	v17 =	vsub.f32 v19, v17  }
0x76: {  	s25 =	simm.s32 $0x70;
	s6 =	sadd.s32 $0x70, s1;
	v11 =	vmin.f32 v11, $0.0e+00;
	v5 =	vsub.f32 v7, v5;
	v23 =	vmul.f32 v24, v23  }
0x77: {  	s26 =	sand.u32 $0xFF80, s6;
	s3 =	sand.u32 $0x70, s25;
	v7 =	vsub.f32 v11, v9;
	v11 =	vmax.f32 v14, $0.0e+00;
	v14 =	vmax.f32 v17, $0.0e+00  }
0x78: {  	s4 =	sor.u32 s3, s26;
	v13 =	vmin.f32 v13, $0.0e+00;
	v14 =	vmul.f32 v14, v11;
	v11 =	vadd.f32 $0.0e+00, v23  }
0x79: {  	s28 =	simm.s32 $0x60;
	s3 =	sadd.s32 $0xFFFFFFF0, s6;
	v1 =	vmax.f32 v1, $0.0e+00;
	v6 =	vsub.f32 v8, v6;
	v8 =	vld [tilespmem:s4+$0x0];
	v10 =	vsub.f32 v13, v10  }
0x7a: {  	s7 =	sand.u32 $0x60, s28;
	s12 =	sand.u32 $0xFF80, s3;
	v3 =	vmin.f32 v3, $0.0e+00;
	v29 =	vmul.f32 v16, v15;
	v15 =	vld [tilespmem:s4+$0xF000];
	v11 =	vsub.f32 v11, v14  }
0x7b: {  	s29 =	simm.s32 $0x50;
	s12 =	sor.u32 s7, s12;
	s7 =	sadd.s32 $0xFFFFFFE0, s6;
	v9 =	vld [tilespmem:s4+$0x5000];
	v26 =	vmul.f32 v22, v21;
	v7 =	vmax.f32 v7, $0.0e+00;
	v10 =	vmax.f32 v10, $0.0e+00  }
0x7c: {  	v3 =	vsub.f32 v3, v1;
	s13 =	sand.u32 $0xFF80, s7;
	v13 =	vld [tilespmem:s4+$0xA000];
	s4 =	sand.u32 $0x50, s29;
	v27 =	vmul.f32 v10, v7;
	v7 =	vadd.f32 $9.999999710e-10, v11  }
0x7d: {  	v1 =	vlaneseq.u32;
	v16 =	vld [tilespmem:s12+$0x0];
	v30 =	vmul.f32 v20, v4;
	s13 =	sor.u32 s4, s13;
	v4 =	vadd.f32 $0.0e+00, v26  }
0x7e: {  	v6 =	vmax.f32 v6, $0.0e+00;
	v5 =	vmax.f32 v5, $0.0e+00;
	v20 =	vld [tilespmem:s13+$0x0];
	(erf) = vrcp.f32 v7  }
0x7f: {  	v31 =	vmul.f32 v6, v5;
	v10 =	vld [tilespmem:s12+$0xA000];
	v4 =	vsub.f32 v4, v27;
	v11 =	vadd.f32 $0.0e+00, v30  }
0x80: {  	v3 =	vmax.f32 v3, $0.0e+00;
	v19 =	vld [tilespmem:s12+$0xF000];
	v2 =	vmax.f32 v2, $0.0e+00;
	v5 =	vadd.f32 $0.0e+00, v29  }
0x81: {  	s30 =	simm.s32 $0x40;
	v32 =	vmul.f32 v2, v3;
	s4 =	sadd.s32 $0xFFFFFFD0, s6;
	v17 =	vld [tilespmem:s12+$0x5000];
	v4 =	vadd.f32 $9.999999710e-10, v4;
	v6 =	vsub.f32 v11, v31  }
0x82: {  	v33 =	vor.u32 s11, v1;
	v34 =	vor.u32 s10, v1;
	v3 =	vor.u32 s9, v1;
	v22 =	vld [tilespmem:s13+$0x5000];
	s14 =	sand.u32 $0xFF80, s4;
	s12 =	sand.u32 $0x40, s30  }
0x83: {  	v24 =	vld [tilespmem:s13+$0xA000];
	s31 =	sor.u32 s12, s14;
	v11 =	vsub.f32 v5, v32;
	(erf) = vrcp.f32 v4;
	v6 =	vadd.f32 $9.999999710e-10, v6  }
0x84: {  	v2 =	vor.u32 s8, v1;
	v28 =	vld [tilespmem:s31+$0x0];
	v21 =	vmax.f32 v20, $0.0e+00;
	v18 =	vmin.f32 v10, $0.0e+00  }
0x85: {  	v36 =	vld [tilespmem:s31+$0xA000];
	v5 =	vsub.f32 v13, v8;
	v11 =	vadd.f32 $9.999999710e-10, v11;
	(erf) = vrcp.f32 v6  }
0x86: {  	v25 =	vld [tilespmem:s13+$0xF000];
	v7 =	vsub.f32 v15, v9;
	v4 =	vmax.f32 v8, $0.0e+00;
	v8 =	vmin.f32 v13, $0.0e+00  }
0x87: {  	s8 =	simm.s32 $0x14020;
	v35 =	vld [tilespmem:s31+$0x5000];
	v13 =	vmin.f32 v15, $0.0e+00;
	v6 =	vmax.f32 v9, $0.0e+00;
	(erf) = vrcp.f32 v11;
	v15 =	vpop (erf)  }
0x88: {  	v9 =	vsub.f32 v8, v4;
	v8 =	vsub.f32 v13, v6;
	v13 =	vld [tilespmem:s8+$0xFFFFFFE0];
	v14 =	vmul.f32 v15, v14  }
0x89: {  	v37 =	vld [tilespmem:s31+$0xF000];
	v4 =	vsub.f32 v10, v16;
	v16 =	vmax.f32 v16, $0.0e+00;
	v10 =	vsub.f32 v24, v20  }
0x8a: {  	v24 =	vmin.f32 v24, $0.0e+00;
	v20 =	vsub.f32 v36, v28;
	v6 =	vsub.f32 v19, v17  }
0x8b: {  	s9 =	simm.s32 $0x14520;
	v38 =	vld [tilespmem:s8+$0xFFFFFFF0];
	v17 =	vmax.f32 v17, $0.0e+00;
	v19 =	vmin.f32 v19, $0.0e+00;
	v11 =	vsub.f32 v25, v22  }
0x8c: {  	[tilespmem:s9+$0xFFFFFFE0] =	vst v23;
	v23 =	vmin.f32 v25, $0.0e+00;
	v25 =	vmax.f32 v28, $0.0e+00;
	vm0 =	vgt.f32 v14, $5.000000000e-01;
	v14 =	vpop (erf)  }
0x8d: {  	v39 =	vld [tilespmem:s8+$0x0];
	v28 =	vmin.f32 v36, $0.0e+00;
	v13 =	vsel vm0, $0xFF800000, v13;
	v14 =	vmul.f32 v14, v27  }
0x8e: {  	[tilespmem:s9+$0xFFFFFFF0] =	vst v26;
	v15 =	vmax.f32 v22, $0.0e+00;
	v22 =	vsub.f32 v37, v35;
	vm0 =	vgt.f32 v13, v12;
	v26 =	vpop (erf)  }
0x8f: {  	[tilespmem:s9+$0x0] =	vst v30;
	v27 =	vmax.f32 v35, $0.0e+00;
	vm1 =	vgt.f32 v14, $5.000000000e-01;
	v14 =	vmul.f32 v26, v31;
	v26 =	vld [tilespmem:s8+$0x10]  }
0x90: {  	[tilespmem:s8+$0xFFFFFFE0] =	vst v13;
	v12 =	vsel vm0, v13, v12;
	v30 =	vsel vm0, v34, v0;
	v31 =	vpop (erf);
	v13 =	vsel vm1, $0xFF800000, v38  }
0x91: {  	[tilespmem:s9+$0x10] =	vst v29;
	v31 =	vmul.f32 v31, v32;
	vm0 =	vgt.f32 v13, v12;
	vm1 =	vgt.f32 v14, $5.000000000e-01  }
0x92: {  	v29 =	vmin.f32 v37, $0.0e+00;
	[tilespmem:s8+$0xFFFFFFF0] =	vst v13;
	v13 =	vsel vm0, v13, v12;
	v14 =	vsel vm1, $0xFF800000, v39  }
0x93: {  	s2 =	sadd.s32 $0x3200, s2;
	s10 =	simm.s32 $0x4;
	s11 =	simm.s32 $0xB0;
	v12 =	vsel vm0, v33, v30;
	vm1 =	vgt.f32 v31, $5.000000000e-01;
	[tilespmem:s8+$0x0] =	vst v14;
	vm0 =	vgt.f32 v14, v13  }
.LBB2_1:
0x94: {  	s12 =	sadd.s32 s11, s1;
	v13 =	vsel vm0, v14, v13;
	v3 =	vsel vm0, v3, v12;
	v12 =	vsel vm1, $0xFF800000, v26  }
0x95: {  	s14 =	sand.u32 $0x70, s11;
	v16 =	vsub.f32 v18, v16;
	v17 =	vsub.f32 v19, v17;
	s13 =	sand.u32 $0xFF80, s12;
	[tilespmem:s8+$0x10] =	vst v12;
	vm0 =	vgt.f32 v12, v13  }
0x96: {  	v18 =	vsub.f32 v24, v21;
	s14 =	sor.u32 s14, s13;
	v12 =	vsel vm0, v12, v13;
	v13 =	vsel vm0, v2, v3  }
0x97: {  	v14 =	vmul.f32 v7, v5;
	v2 =	vsub.f32 v28, v25;
	v3 =	vsub.f32 v29, v27;
	v19 =	vld [tilespmem:s14+$0x0]  }
0x98: {  	s15 =	sadd.s32 $0xFFFFFFF0, s11;
	v20 =	vmul.f32 v22, v20;
	v5 =	vsub.f32 v23, v15;
	v7 =	vmax.f32 v9, $0.0e+00;
	s13 =	sadd.s32 $0xFFFFFFF0, s12;
	v21 =	vld [tilespmem:s14+$0x5000]  }
0x99: {  	v8 =	vmax.f32 v8, $0.0e+00;
	s15 =	sand.u32 $0x60, s15;
	s16 =	sand.u32 $0xFF80, s13;
	v2 =	vmax.f32 v2, $0.0e+00;
	v3 =	vmax.f32 v3, $0.0e+00;
	v9 =	vld [tilespmem:s14+$0xA000]  }
0x9a: {  	v23 =	vmul.f32 v11, v10;
	s15 =	sor.u32 s15, s16;
	v22 =	vmul.f32 v3, v2;
	v2 =	vadd.f32 $0.0e+00, v20;
	v15 =	vld [tilespmem:s14+$0xF000]  }
0x9b: {  	v26 =	vmul.f32 v6, v4;
	v5 =	vmax.f32 v5, $0.0e+00;
	v3 =	vmax.f32 v18, $0.0e+00;
	v10 =	vld [tilespmem:s15+$0x0]  }
0x9c: {  	s16 =	sadd.s32 $0xFFFFFFE0, s12;
	s14 =	sadd.s32 $0xFFFFFFE0, s11;
	v27 =	vmul.f32 v5, v3;
	v3 =	vadd.f32 $0.0e+00, v23;
	v2 =	vsub.f32 v2, v22;
	v11 =	vld [tilespmem:s15+$0x5000]  }
0x9d: {  	v4 =	vmax.f32 v16, $0.0e+00;
	v6 =	vadd.f32 $0.0e+00, v26;
	s17 =	sand.u32 $0xFF80, s16;
	v5 =	vmax.f32 v17, $0.0e+00;
	s14 =	sand.u32 $0x50, s14;
	v18 =	vld [tilespmem:s15+$0xA000]  }
0x9e: {  	v29 =	vmul.f32 v5, v4;
	s14 =	sor.u32 s14, s17;
	v3 =	vsub.f32 v3, v27;
	v2 =	vadd.f32 $9.999999710e-10, v2;
	v24 =	vld [tilespmem:s15+$0xF000]  }
0x9f: {  	v30 =	vmul.f32 v8, v7;
	v4 =	vadd.f32 $0.0e+00, v14;
	v25 =	vld [tilespmem:s14+$0x0]  }
0xa0: {  	s17 =	sadd.s32 $0xFFFFFFD0, s12;
	v6 =	vsub.f32 v6, v29;
	s15 =	sadd.s32 $0xFFFFFFD0, s11;
	v5 =	vadd.f32 $9.999999710e-10, v3;
	v28 =	vld [tilespmem:s14+$0x5000];
	(erf) = vrcp.f32 v2  }
0xa1: {  	v32 =	vor.u32 s7, v1;
	s18 =	sand.u32 $0xFF80, s17;
	v3 =	vor.u32 s3, v1;
	s15 =	sand.u32 $0x40, s15;
	v2 =	vor.u32 s6, v1;
	s6 =	smov.u32 s12;
	v31 =	vld [tilespmem:s14+$0xA000]  }
0xa2: {  	s7 =	smov.u32 s16;
	v4 =	vsub.f32 v4, v30;
	s3 =	smov.u32 s13;
	v6 =	vadd.f32 $9.999999710e-10, v6;
	s12 =	sor.u32 s15, s18;
	v33 =	vld [tilespmem:s14+$0xF000];
	(erf) = vrcp.f32 v5  }
0xa3: {  	v35 =	vor.u32 s4, v1;
	s4 =	smov.u32 s17;
	v7 =	vsub.f32 v15, v21;
	v5 =	vsub.f32 v9, v19;
	v34 =	vld [tilespmem:s12+$0x0]  }
0xa4: {  	v8 =	vmax.f32 v19, $0.0e+00;
	v4 =	vadd.f32 $9.999999710e-10, v4;
	v36 =	vld [tilespmem:s12+$0x5000];
	(erf) = vrcp.f32 v6  }
0xa5: {  	v15 =	vmin.f32 v15, $0.0e+00;
	v9 =	vmin.f32 v9, $0.0e+00;
	v6 =	vmax.f32 v21, $0.0e+00;
	v37 =	vld [tilespmem:s12+$0xA000]  }
0xa6: {  	v9 =	vsub.f32 v9, v8;
	v8 =	vsub.f32 v15, v6;
	v38 =	vld [tilespmem:s12+$0xF000];
	(erf) = vrcp.f32 v4  }
0xa7: {  	s9 =	sadd.s32 $0x40, s9;
	s8 =	sadd.s32 $0x40, s8;
	v16 =	vmax.f32 v10, $0.0e+00;
	v6 =	vsub.f32 v24, v11;
	v4 =	vsub.f32 v18, v10  }
0xa8: {  	v17 =	vmax.f32 v11, $0.0e+00;
	v19 =	vmin.f32 v24, $0.0e+00;
	v18 =	vmin.f32 v18, $0.0e+00;
	v39 =	vld [tilespmem:s8+$0xFFFFFFE0];
	[tilespmem:s9+$0xFFFFFFE0] =	vst v20  }
0xa9: {  	v21 =	vmax.f32 v25, $0.0e+00;
	v10 =	vsub.f32 v31, v25;
	v11 =	vsub.f32 v33, v28;
	v20 =	vpop (erf)  }
0xaa: {  	v15 =	vmax.f32 v28, $0.0e+00;
	v24 =	vmin.f32 v31, $0.0e+00;
	v28 =	vmul.f32 v20, v22;
	v31 =	vld [tilespmem:s8+$0xFFFFFFF0];
	[tilespmem:s9+$0xFFFFFFF0] =	vst v23  }
0xab: {  	v20 =	vsub.f32 v37, v34;
	v23 =	vmin.f32 v33, $0.0e+00;
	v22 =	vsub.f32 v38, v36;
	v33 =	vpop (erf)  }
0xac: {  	s10 =	sadd.s32 $0x4, s10;
	v25 =	vmax.f32 v34, $0.0e+00;
	vm0 =	vgt.f32 v28, $5.000000000e-01;
	v33 =	vmul.f32 v33, v27;
	v34 =	vld [tilespmem:s8+$0x0];
	[tilespmem:s9+$0x0] =	vst v26  }
0xad: {  	p0 =	slt.u32 s10, $0x4C;
	v27 =	vmax.f32 v36, $0.0e+00;
	v28 =	vmin.f32 v37, $0.0e+00;
	v36 =	vsel vm0, $0xFF800000, v39;
	v26 =	vpop (erf)  }
.Ltmp0:
0xae: {  	[tilespmem:s8+$0xFFFFFFE0] =	vst v36;
	vm0 =	vgt.f32 v36, v12;
	vm1 =	vgt.f32 v33, $5.000000000e-01;
	v29 =	vmul.f32 v26, v29;
	v26 =	vld [tilespmem:s8+$0x10];
	(pc) =	sbr.rel @p0 .LBB2_1-.Ltmp0, $4  }
0xaf: {  	v12 =	vsel vm0, v36, v12;
	v33 =	vsel vm0, v35, v13;
	v13 =	vsel vm1, $0xFF800000, v31;
	[tilespmem:s9+$0x10] =	vst v14;
	v14 =	vpop (erf)  }
0xb0: {  	[tilespmem:s8+$0xFFFFFFF0] =	vst v13;
	vm0 =	vgt.f32 v13, v12;
	vm1 =	vgt.f32 v29, $5.000000000e-01;
	v30 =	vmul.f32 v14, v30  }
0xb1: {  	v13 =	vsel vm0, v13, v12;
	v12 =	vsel vm0, v32, v33;
	v14 =	vsel vm1, $0xFF800000, v34  }
0xb2: {  	s11 =	sadd.s32 $0x40, s11;
	v29 =	vmin.f32 v38, $0.0e+00;
	[tilespmem:s8+$0x0] =	vst v14;
	vm0 =	vgt.f32 v14, v13;
	vm1 =	vgt.f32 v30, $5.000000000e-01  }
0xb3: {  	v16 =	vsub.f32 v18, v16  }
0xb4: {  	v17 =	vsub.f32 v19, v17;
	v36 =	vsub.f32 v24, v21  }
0xb5: {  	v37 =	vsub.f32 v28, v25;
	v38 =	vsub.f32 v29, v27;
	v5 =	vmul.f32 v7, v5  }
0xb6: {  	v39 =	vmul.f32 v22, v20;
	v15 =	vsub.f32 v23, v15;
	v9 =	vmax.f32 v9, $0.0e+00  }
0xb7: {  	v8 =	vmax.f32 v8, $0.0e+00;
	v19 =	vmax.f32 v37, $0.0e+00;
	v40 =	vmax.f32 v38, $0.0e+00  }
0xb8: {  	v10 =	vmul.f32 v11, v10;
	v41 =	vadd.f32 $0.0e+00, v39;
	v19 =	vmul.f32 v40, v19  }
0xb9: {  	v4 =	vmul.f32 v6, v4;
	v42 =	vmax.f32 v36, $0.0e+00;
	v15 =	vmax.f32 v15, $0.0e+00  }
0xba: {  	v44 =	vadd.f32 $0.0e+00, v10;
	v11 =	vmul.f32 v15, v42;
	v43 =	vsub.f32 v41, v19  }
0xbb: {  	v16 =	vmax.f32 v16, $0.0e+00;
	v17 =	vmax.f32 v17, $0.0e+00;
	v45 =	vadd.f32 $0.0e+00, v4  }
0xbc: {  	v16 =	vmul.f32 v17, v16;
	v15 =	vsub.f32 v44, v11;
	v6 =	vadd.f32 $9.999999710e-10, v43  }
0xbd: {  	v8 =	vmul.f32 v8, v9;
	v46 =	vadd.f32 $0.0e+00, v5  }
0xbe: {  	v17 =	vsub.f32 v45, v16;
	v15 =	vadd.f32 $9.999999710e-10, v15;
	(erf) = vrcp.f32 v6;
	_ =	sdelay $0x1  }
0xbf: {  	v9 =	vsub.f32 v46, v8;
	v47 =	vadd.f32 $9.999999710e-10, v17;
	(erf) = vrcp.f32 v15;
	_ =	sdelay $0x1  }
0xc0: {  	v9 =	vadd.f32 $9.999999710e-10, v9;
	(erf) = vrcp.f32 v47;
	_ =	sdelay $0x1  }
0xc1: {  	(erf) = vrcp.f32 v9  }
0xc2: {  	s12 =	sadd.s32 $0x40, s8  }
0xc3: {  	v48 =	vld [tilespmem:s12+$0xFFFFFFE0]  }
0xc4: {  	v13 =	vsel vm0, v14, v13;
	v49 =	vpop (erf)  }
0xc5: {  	v50 =	vsel vm1, $0xFF800000, v26;
	v3 =	vsel vm0, v3, v12;
	v51 =	vld [tilespmem:s12+$0xFFFFFFF0];
	v9 =	vmul.f32 v49, v19  }
0xc6: {  	v58 =	vor.u32 s3, v1;
	v61 =	vor.u32 s4, v1;
	p0 =	sne.s32 s5, $0x0;
	vm0 =	vgt.f32 v50, v13;
	v52 =	vpop (erf)  }
0xc7: {  	v54 =	vld [tilespmem:s12+$0x0];
	vm3 =	vcmask @!p0 $0x3F08;
	v53 =	vmul.f32 v52, v11;
	vm1 =	vgt.f32 v9, $5.000000000e-01  }
0xc8: {  	v13 =	vsel vm0, v50, v13;
	v2 =	vsel vm0, v2, v3;
	v55 =	vpop (erf);
	v6 =	vsel vm1, $0xFF800000, v48  }
0xc9: {  	s31 =	sadd.s32 $0x40, s9;
	v57 =	vld [tilespmem:s12+$0x10];
	[tilespmem:s8+$0x10] =	vst v50;
	v56 =	vmul.f32 v55, v16;
	vm1 =	vgt.f32 v53, $5.000000000e-01;
	vm0 =	vgt.f32 v6, v13  }
0xca: {  	vm4 =	vmmov @!p0 $0x1;
	[tilespmem:s31+$0xFFFFFFE0] =	vst v39;
	v59 =	vpop (erf);
	v15 =	vsel vm1, $0xFF800000, v51;
	v13 =	vsel vm0, v6, v13  }
0xcb: {  	[tilespmem:s31+$0xFFFFFFF0] =	vst v10;
	v60 =	vmul.f32 v59, v8;
	vm2 =	vgt.f32 v56, $5.000000000e-01;
	vm1 =	vgt.f32 v15, v13  }
0xcc: {  	v3 =	vor.u32 s7, v1;
	[tilespmem:s31+$0x0] =	vst v4;
	v63 =	vsel vm2, $0xFF800000, v54;
	v62 =	vsel vm1, v15, v13  }
0xcd: {  	s3 =	sshll.u32 s5, $0x1;
	s4 =	simm.s32 $0x0;
	[tilespmem:s31+$0x10] =	vst v5;
	v2 =	vsel vm0, v61, v2;
	vm2 =	vgt.f32 v60, $5.000000000e-01;
	vm0 =	vgt.f32 v63, v62  }
0xce: {  	s5 =	simm.s32 $0x1;
	s9 =	simm.s32 $0x5000;
	s10 =	simm.s32 $0xA000;
	[tilespmem:s12+$0xFFFFFFE0] =	vst v6;
	v4 =	vsel vm2, $0xFF800000, v57;
	v2 =	vsel vm1, v3, v2;
	v3 =	vsel vm0, v63, v62  }
0xcf: {  	s11 =	simm.s32 $0xF000;
	s17 =	simm.s32 $0x0;
	s18 =	simm.s32 $0x0;
	v1 =	vor.u32 s6, v1;
	[tilespmem:s12+$0xFFFFFFF0] =	vst v15;
	v5 =	vsel vm0, v58, v2;
	vm0 =	vgt.f32 v4, v3  }
0xd0: {  	s13 =	simm.s32 $0x0;
	s14 =	simm.s32 $0x0;
	s8 =	simm.s32 $0x4;
	[tilespmem:s12+$0x0] =	vst v63;
	vm2 =	vcmask @!p0 $0x3F0C;
	vm1 =	vcmask @!p0 $0x3F10;
	v2 =	vsel vm0, v4, v3  }
0xd1: {  	s6 =	simm.s32 $0x2;
	s7 =	simm.s32 $0x3;
	[tilespmem:s12+$0x10] =	vst v4;
	s12 =	simm.s32 $0x0;
	v3 =	vsel vm0, v1, v5;
	vm0 =	vcmask @!p0 $0x1310;
	v1 =	vlaneseq.u32  }
.LBB2_3:
0xd2: {  	v4 =	vxor.u32 $0x80000000, v2  }
0xd3: {  	(xrf0) =	vmax.scan.msk.u32 $0xffff, v4;
	_ =	sdelay $0x5  }
0xd4: {  	v4, _, _ =	vpop (xrf0)  }
0xd5: {  	(v2sf) =	vpush v4, $0xF;
	_ =	sdelay $0xe  }
0xd6: {  	s15 =	spop (v2sf)  }
0xd7: {  	s15 =	sxor.u32 $0x80000000, s15  }
0xd8: {  	v63 =	vmov s15  }
0xd9: {  	vm5 =	veq.s32 v63, v2;
	v2 =	vxor.u32 $0x80000000, v3  }
0xda: {  	v2 =	vnsel vm5, $0xFFFFFFFF, v2  }
0xdb: {  	(xrf0) =	vmin.scan.msk.u32 $0xffff, v2;
	_ =	sdelay $0x5  }
0xdc: {  	v2, _, _ =	vpop (xrf0)  }
0xdd: {  	(v2sf) =	vpush v2, $0xF;
	_ =	sdelay $0xa  }
0xde: {  	s16 =	sand.u32 $0x1, s14  }
0xdf: {  	s19 =	smov.u32 s18;
	p1 =	seq.s32 s16, $0x0  }
0xe0: {  	s20 =	sshll.u32 s16, $0x5;
	s19 =	smov.u32 @p1 s13  }
0xe1: {  	[sflag:s5] =	ssyncset.done $0x0;
	s31 =	sor.u32 s20, s3;
	s30 =	ssub.s32 s15, s19  }
0xe2: {  	[smem:s31], [sflag:$0x1] =	smem.add.s32 s30;
	s21 =	spop (v2sf)  }
0xe3: {  	_ =	swait.done [sflag:s5]  }
0xe4: {  	s22 =	smov.u32 s17;
	[sflag:s5] =	ssyncset.s32 $0x0  }
0xe5: {  	s22 =	smov.u32 @p1 s12;
	s16 =	sxor.u32 $0x80000000, s21;
	[sflag:s5] =	ssyncset.done $0x0  }
0xe6: {  	s19 =	sadd.s32 $0x1, s31;
	s21 =	ssub.s32 s16, s22;
	[sflag:s6] =	ssyncset.done $0x0  }
0xe7: {  	[smem:s19], [sflag:$0x2] =	smem.add.s32 s21  }
.Ltmp1:
0xe8: {  	_ =	swait.done [sflag:s6];
	(pc) =	sbr.rel @p0 .LBB2_5-.Ltmp1, $4  }
0xe9: {  	[sflag:s6] =	ssyncset.s32 $0x0  }
0xea: {  	[sflag:s6] =	ssyncset.done $0x0  }
0xeb: {  	s19 =	simm.s32 $0x40;
	[bflag:$0x0] =	sbarrier.arrive $0xFFFF  }
0xec: {  	s19 =	simm.s32 @!p1 $0x42  }
0xed: {  	s21 =	sld [smem:s20+$0x0]  }
0xee: {  	s22 =	sld [smem:s20+$0x1]  }
0xef: {  	s23 =	sld [smem:s20+$0x2]  }
0xf0: {  	s24 =	sld [smem:s20+$0x3];
	_ =	sdelay $0x2  }
0xf1: {  	p2 =	seq.s32 s23, s21;
	p3 =	slt.s32 s24, s22  }
0xf2: {  	s25 =	sld [smem:s20+$0x4];
	p2 =	por !p2, !p3  }
0xf3: {  	s26 =	sld [smem:s20+$0x5];
	p6 =	sgt.s32 s23, s21;
	p2 =	por !p2, !p2  }
0xf4: {  	p2 =	por p6, p2  }
0xf5: {  	s21 =	smov.u32 @p2 s23;
	s22 =	smov.u32 @p2 s24  }
0xf6: {  	p4 =	seq.s32 s25, s21;
	p5 =	slt.s32 s26, s22  }
0xf7: {  	s23 =	sld [smem:s20+$0x6];
	p2 =	por !p4, !p5  }
0xf8: {  	s24 =	sld [smem:s20+$0x7];
	p6 =	sgt.s32 s25, s21;
	p2 =	por !p2, !p2  }
0xf9: {  	p2 =	por p6, p2  }
0xfa: {  	s21 =	smov.u32 @p2 s25;
	s22 =	smov.u32 @p2 s26  }
0xfb: {  	p4 =	seq.s32 s23, s21;
	p5 =	slt.s32 s24, s22  }
0xfc: {  	s25 =	sld [smem:s20+$0x8];
	p2 =	por !p4, !p5  }
0xfd: {  	s26 =	sld [smem:s20+$0x9];
	p6 =	sgt.s32 s23, s21;
	p2 =	por !p2, !p2  }
0xfe: {  	p2 =	por p6, p2  }
0xff: {  	s21 =	smov.u32 @p2 s23;
	s22 =	smov.u32 @p2 s24  }
0x100: {  	p4 =	seq.s32 s25, s21;
	p5 =	slt.s32 s26, s22  }
0x101: {  	s23 =	sld [smem:s20+$0xA];
	p2 =	por !p4, !p5  }
0x102: {  	s24 =	sld [smem:s20+$0xB];
	p6 =	sgt.s32 s25, s21;
	p2 =	por !p2, !p2  }
0x103: {  	p2 =	por p6, p2  }
0x104: {  	s21 =	smov.u32 @p2 s25;
	s22 =	smov.u32 @p2 s26  }
0x105: {  	p4 =	seq.s32 s23, s21;
	p5 =	slt.s32 s24, s22  }
0x106: {  	s25 =	sld [smem:s20+$0xC];
	p2 =	por !p4, !p5  }
0x107: {  	s26 =	sld [smem:s20+$0xD];
	p6 =	sgt.s32 s23, s21;
	p2 =	por !p2, !p2  }
0x108: {  	p2 =	por p6, p2  }
0x109: {  	s21 =	smov.u32 @p2 s23;
	s22 =	smov.u32 @p2 s24  }
0x10a: {  	p4 =	seq.s32 s25, s21;
	p5 =	slt.s32 s26, s22  }
0x10b: {  	s23 =	sld [smem:s20+$0xE];
	p2 =	por !p4, !p5  }
0x10c: {  	s24 =	sld [smem:s20+$0xF];
	p6 =	sgt.s32 s25, s21;
	p2 =	por !p2, !p2  }
0x10d: {  	p2 =	por p6, p2  }
0x10e: {  	s21 =	smov.u32 @p2 s25;
	s22 =	smov.u32 @p2 s26  }
0x10f: {  	p4 =	seq.s32 s23, s21;
	p5 =	slt.s32 s24, s22  }
0x110: {  	s25 =	sld [smem:s20+$0x10];
	p2 =	por !p4, !p5  }
0x111: {  	s26 =	sld [smem:s20+$0x11];
	p6 =	sgt.s32 s23, s21;
	p2 =	por !p2, !p2  }
0x112: {  	p2 =	por p6, p2  }
0x113: {  	s21 =	smov.u32 @p2 s23;
	s22 =	smov.u32 @p2 s24  }
0x114: {  	p4 =	seq.s32 s25, s21;
	p5 =	slt.s32 s26, s22  }
0x115: {  	s23 =	sld [smem:s20+$0x12];
	p2 =	por !p4, !p5  }
0x116: {  	s24 =	sld [smem:s20+$0x13];
	p6 =	sgt.s32 s25, s21;
	p2 =	por !p2, !p2  }
0x117: {  	p2 =	por p6, p2  }
0x118: {  	s21 =	smov.u32 @p2 s25;
	s22 =	smov.u32 @p2 s26  }
0x119: {  	p4 =	seq.s32 s23, s21;
	p5 =	slt.s32 s24, s22  }
0x11a: {  	s25 =	sld [smem:s20+$0x14];
	p2 =	por !p4, !p5  }
0x11b: {  	s26 =	sld [smem:s20+$0x15];
	p6 =	sgt.s32 s23, s21;
	p2 =	por !p2, !p2  }
0x11c: {  	p2 =	por p6, p2  }
0x11d: {  	s21 =	smov.u32 @p2 s23;
	s22 =	smov.u32 @p2 s24  }
0x11e: {  	p4 =	seq.s32 s25, s21;
	p5 =	slt.s32 s26, s22  }
0x11f: {  	s23 =	sld [smem:s20+$0x16];
	p2 =	por !p4, !p5  }
0x120: {  	s24 =	sld [smem:s20+$0x17];
	p6 =	sgt.s32 s25, s21;
	p2 =	por !p2, !p2  }
0x121: {  	p2 =	por p6, p2  }
0x122: {  	s21 =	smov.u32 @p2 s25;
	s22 =	smov.u32 @p2 s26  }
0x123: {  	p4 =	seq.s32 s23, s21;
	p5 =	slt.s32 s24, s22  }
0x124: {  	s25 =	sld [smem:s20+$0x18];
	p2 =	por !p4, !p5  }
0x125: {  	s26 =	sld [smem:s20+$0x19];
	p6 =	sgt.s32 s23, s21;
	p2 =	por !p2, !p2  }
0x126: {  	p2 =	por p6, p2  }
0x127: {  	s21 =	smov.u32 @p2 s23;
	s22 =	smov.u32 @p2 s24  }
0x128: {  	p4 =	seq.s32 s25, s21;
	p5 =	slt.s32 s26, s22  }
0x129: {  	s23 =	sld [smem:s20+$0x1A];
	p2 =	por !p4, !p5  }
0x12a: {  	s24 =	sld [smem:s20+$0x1B];
	p6 =	sgt.s32 s25, s21;
	p2 =	por !p2, !p2  }
0x12b: {  	p2 =	por p6, p2  }
0x12c: {  	s21 =	smov.u32 @p2 s25;
	s22 =	smov.u32 @p2 s26  }
0x12d: {  	p4 =	seq.s32 s23, s21;
	p5 =	slt.s32 s24, s22  }
0x12e: {  	s25 =	sld [smem:s20+$0x1C];
	p2 =	por !p4, !p5  }
0x12f: {  	s26 =	sld [smem:s20+$0x1D];
	p6 =	sgt.s32 s23, s21;
	p2 =	por !p2, !p2  }
0x130: {  	p2 =	por p6, p2  }
0x131: {  	s21 =	smov.u32 @p2 s23;
	s22 =	smov.u32 @p2 s24  }
0x132: {  	p4 =	seq.s32 s25, s21;
	p5 =	slt.s32 s26, s22  }
0x133: {  	s23 =	sld [smem:s20+$0x1E];
	p2 =	por !p4, !p5  }
0x134: {  	s20 =	sld [smem:s20+$0x1F];
	p6 =	sgt.s32 s25, s21;
	p2 =	por !p2, !p2  }
0x135: {  	p2 =	por p6, p2  }
0x136: {  	s21 =	smov.u32 @p2 s25;
	s22 =	smov.u32 @p2 s26  }
0x137: {  	p4 =	seq.s32 s23, s21;
	p5 =	slt.s32 s20, s22  }
0x138: {  	p2 =	por !p4, !p5  }
0x139: {  	p6 =	sgt.s32 s23, s21;
	p2 =	por !p2, !p2  }
0x13a: {  	p2 =	por p6, p2  }
0x13b: {  	s21 =	smov.u32 @p2 s23  }
0x13c: {  	s22 =	smov.u32 @p2 s20;
	[smem:s19] =	sst s21  }
0x13d: {  	[smem:s19+$0x1] =	sst s22  }
.LBB2_5:
0x13e: {  	[bflag:$0x0] =	sbarrier.arrive $0xFFFF  }
0x13f: {  	[sflag:s7] =	ssyncset.done $0x0  }
0x140: {  	[smem:s19], [sflag:$0x3] =	smem.add.s32 $0x0  }
0x141: {  	_ =	swait.done [sflag:s7]  }
0x142: {  	s20 =	ssyncread [sflag:$0x3]  }
0x143: {  	[sflag:s7] =	ssyncset.s32 $0x0  }
0x144: {  	[sflag:s7] =	ssyncset.done $0x0  }
0x145: {  	s26 =	sadd.s32 $0x1, s19;
	[sflag:s8] =	ssyncset.done $0x0  }
0x146: {  	[smem:s26], [sflag:$0x4] =	smem.add.s32 $0x0  }
0x147: {  	_ =	swait.done [sflag:s8]  }
0x148: {  	s28 =	ssyncread [sflag:$0x4];
	_ =	sdelay $0x2  }
0x149: {  	v5 =	vmov s28;
	_ =	sdelay $0x2  }
0x14a: {  	[sflag:s8] =	ssyncset.s32 $0x0  }
0x14b: {  	[sflag:s8] =	ssyncset.done $0x0  }
0x14c: {  	v2 =	vld.idx.msk [tilespmem:v5+s11+$0x0], $0xffff  }
0x14d: {  	v6 =	vmov @!p0 s20;
	v3 =	vld.idx.msk [tilespmem:v5+s10+$0x0], $0xffff  }
0x14e: {  	v6 =	vbroadcast @!p0 v6, $0x0;
	v4 =	vld.idx.msk [tilespmem:v5+s9+$0x0], $0xffff  }
0x14f: {  	v5 =	vld.idx.msk [tilespmem:v5+s4+$0x0], $0xffff  }
0x150: {  	v6 =	vnsel @!p0 vm0, $0x0, v6  }
0x151: {  	v6 =	vsel @!p0 vm1, v6, v2  }
0x152: {  	v6 =	vsel @!p0 vm2, v6, v3  }
0x153: {  	p2 =	seq.s32 @!p0 s20, $0xFF800000;
	v6 =	vsel @!p0 vm3, v6, v4  }
0x154: {  	s19 =	sshll.u32 @!p0 s14, $0x4;
	p2 =	por !p2, p0;
	v6 =	vsel @!p0 vm4, v5, v6  }
0x155: {  	s19 =	sand.u32 @!p0 $0x3FFFFFF0, s19;
	v6 =	vpsel !p2, $0x0, v6  }
0x156: {  	s29 =	simm.s32 $0x30;
	s22 =	sadd.s32 $0x30, s1;
	[tilespmem:s19+$0x14A00] =	vst @!p0 v6;
	s19 =	simm.s32 $0x14520  }
0x157: {  	s21 =	sand.u32 $0xFF80, s22;
	s20 =	sand.u32 $0x70, s29;
	v8 =	vld [tilespmem:s19+$0xFFFFFFF0]  }
0x158: {  	s20 =	sor.u32 s20, s21;
	v9 =	vld [tilespmem:s19+$0xFFFFFFE0]  }
0x159: {  	v10 =	vld [tilespmem:s20+$0x0]  }
0x15a: {  	s30 =	simm.s32 $0x20;
	s25 =	sadd.s32 $0xFFFFFFF0, s22;
	v11 =	vld [tilespmem:s20+$0x5000]  }
0x15b: {  	s23 =	sand.u32 $0xFF80, s25;
	s21 =	sand.u32 $0x60, s30;
	v12 =	vld [tilespmem:s20+$0xA000]  }
0x15c: {  	s21 =	sor.u32 s21, s23;
	v13 =	vld [tilespmem:s20+$0xF000]  }
0x15d: {  	v14 =	vld [tilespmem:s21+$0x0]  }
0x15e: {  	s31 =	simm.s32 $0x10;
	s28 =	sadd.s32 $0xFFFFFFE0, s22;
	v15 =	vld [tilespmem:s21+$0x5000]  }
0x15f: {  	s0 =	sand.u32 $0xFF80, s28;
	s20 =	sand.u32 $0x50, s31;
	v16 =	vld [tilespmem:s21+$0xA000]  }
0x160: {  	v17 =	vld [tilespmem:s21+$0xF000];
	s20 =	sor.u32 s20, s0  }
0x161: {  	s26 =	sadd.s32 $0xFFFFFFD0, s22;
	s23 =	simm.s32 $0x0;
	v18 =	vld [tilespmem:s20+$0x0]  }
0x162: {  	s24 =	sand.u32 $0xFF80, s26;
	s21 =	sand.u32 $0x40, s23;
	v19 =	vld [tilespmem:s20+$0x5000]  }
0x163: {  	v20 =	vsub.f32 v2, v4;
	v6 =	vsub.f32 v3, v5;
	s21 =	sor.u32 s21, s24;
	v21 =	vld [tilespmem:s20+$0xA000]  }
0x164: {  	v22 =	vld [tilespmem:s21+$0x0]  }
0x165: {  	v6 =	vmul.f32 v20, v6;
	v20 =	vld [tilespmem:s21+$0x5000]  }
0x166: {  	v23 =	vld [tilespmem:s21+$0xA000]  }
0x167: {  	v24 =	vld [tilespmem:s21+$0xF000];
	v8 =	vadd.f32 v8, v6;
	v9 =	vadd.f32 v9, v6  }
0x168: {  	v25 =	vld [tilespmem:s20+$0xF000];
	v10 =	vmax.f32 v5, v10;
	v12 =	vmin.f32 v3, v12;
	v11 =	vmax.f32 v4, v11  }
0x169: {  	v13 =	vmin.f32 v2, v13;
	v14 =	vmax.f32 v5, v14;
	v15 =	vmax.f32 v4, v15  }
0x16a: {  	v7 =	vld [tilespmem:s19+$0x0];
	s24 =	simm.s32 $0x14560;
	v10 =	vsub.f32 v12, v10;
	v11 =	vsub.f32 v13, v11;
	v13 =	vmax.f32 v5, v18  }
0x16b: {  	v26 =	vld [tilespmem:s24+$0x0];
	v18 =	vmax.f32 v5, v22;
	v20 =	vmax.f32 v4, v20;
	v23 =	vmin.f32 v3, v23  }
0x16c: {  	s29 =	simm.s32 $0x70;
	v12 =	vld [tilespmem:s19+$0x10];
	s19 =	sadd.s32 $0x70, s1;
	v24 =	vmin.f32 v2, v24;
	v21 =	vmin.f32 v3, v21;
	v19 =	vmax.f32 v4, v19  }
0x16d: {  	s20 =	sand.u32 $0x70, s29;
	v27 =	vld [tilespmem:s24+$0xFFFFFFE0];
	s30 =	sand.u32 $0xFF80, s19;
	v18 =	vsub.f32 v23, v18;
	v20 =	vsub.f32 v24, v20;
	v24 =	vmin.f32 v2, v25  }
0x16e: {  	v16 =	vmin.f32 v3, v16;
	v22 =	vld [tilespmem:s24+$0xFFFFFFF0];
	s21 =	sor.u32 s20, s30;
	v13 =	vsub.f32 v21, v13;
	v19 =	vsub.f32 v24, v19  }
0x16f: {  	v17 =	vmin.f32 v2, v17;
	v23 =	vld [tilespmem:s21+$0x0];
	v18 =	vmax.f32 v18, $0.0e+00;
	v20 =	vmax.f32 v20, $0.0e+00  }
0x170: {  	s31 =	simm.s32 $0x60;
	s20 =	sadd.s32 $0xFFFFFFF0, s19;
	v21 =	vld [tilespmem:s21+$0x5000];
	v13 =	vmax.f32 v13, $0.0e+00;
	v25 =	vmul.f32 v20, v18;
	v18 =	vmax.f32 v19, $0.0e+00  }
0x171: {  	s23 =	sand.u32 $0x60, s31;
	v14 =	vsub.f32 v16, v14;
	v15 =	vsub.f32 v17, v15;
	s29 =	sand.u32 $0xFF80, s20;
	v24 =	vld [tilespmem:s21+$0xA000];
	v30 =	vmul.f32 v18, v13  }
0x172: {  	v10 =	vmax.f32 v10, $0.0e+00;
	v11 =	vmax.f32 v11, $0.0e+00;
	v16 =	vld [tilespmem:s21+$0xF000];
	s23 =	sor.u32 s23, s29;
	v9 =	vsub.f32 v9, v25  }
0x173: {  	v20 =	vld [tilespmem:s23+$0x0];
	v13 =	vmax.f32 v14, $0.0e+00;
	v14 =	vmax.f32 v15, $0.0e+00;
	v15 =	vsub.f32 v8, v30  }
0x174: {  	s0 =	simm.s32 $0x50;
	v7 =	vadd.f32 v7, v6;
	s21 =	sadd.s32 $0xFFFFFFE0, s19;
	v11 =	vmul.f32 v11, v10;
	v17 =	vld [tilespmem:s23+$0x5000];
	v9 =	vadd.f32 $9.999999710e-10, v9  }
0x175: {  	s30 =	sand.u32 $0xFF80, s21;
	s29 =	sand.u32 $0x50, s0;
	v28 =	vld [tilespmem:s23+$0xA000];
	v10 =	vadd.f32 v12, v6;
	v32 =	vmul.f32 v14, v13;
	v12 =	vadd.f32 $9.999999710e-10, v15  }
0x176: {  	s29 =	sor.u32 s29, s30;
	v29 =	vld [tilespmem:s23+$0xF000];
	(erf) = vrcp.f32 v9  }
0x177: {  	s31 =	simm.s32 $0x40;
	s23 =	sadd.s32 $0xFFFFFFD0, s19;
	v31 =	vld [tilespmem:s29+$0x0];
	v14 =	vsub.f32 v7, v32;
	(erf) = vrcp.f32 v12  }
0x178: {  	s30 =	sand.u32 $0x40, s31;
	v33 =	vld [tilespmem:s29+$0x5000];
	s0 =	sand.u32 $0xFF80, s23;
	v18 =	vor.u32 s26, v1;
	v13 =	vor.u32 s28, v1;
	v19 =	vsub.f32 v10, v11  }
0x179: {  	v34 =	vld [tilespmem:s29+$0xA000];
	s31 =	sor.u32 s30, s0;
	v10 =	vadd.f32 v26, v6;
	v21 =	vmax.f32 v4, v21;
	v15 =	vadd.f32 $9.999999710e-10, v14  }
0x17a: {  	v16 =	vmin.f32 v2, v16;
	v19 =	vadd.f32 $9.999999710e-10, v19;
	v12 =	vadd.f32 v22, v6;
	v22 =	vld [tilespmem:s31+$0x5000]  }
0x17b: {  	(erf) = vrcp.f32 v15;
	v15 =	vmax.f32 v5, v23;
	v23 =	vmin.f32 v3, v24;
	v24 =	vld [tilespmem:s31+$0xF000]  }
0x17c: {  	v35 =	vld [tilespmem:s29+$0xF000];
	v8 =	vimm.f32 $-Inf;
	v7 =	vor.u32 s22, v1;
	v16 =	vsub.f32 v16, v21  }
0x17d: {  	v36 =	vld [tilespmem:s31+$0x0];
	v15 =	vsub.f32 v23, v15;
	(erf) = vrcp.f32 v19;
	v23 =	vmax.f32 v5, v20  }
0x17e: {  	s22 =	simm.s32 $0x14020;
	v21 =	vmin.f32 v3, v28;
	v14 =	vadd.f32 v27, v6;
	v27 =	vld [tilespmem:s31+$0xA000];
	v34 =	vmin.f32 v3, v34  }
0x17f: {  	v19 =	vmax.f32 v4, v17;
	v17 =	vmax.f32 v5, v31;
	v20 =	vmin.f32 v2, v29;
	v31 =	vld [tilespmem:s22+$0xFFFFFFE0];
	v26 =	vpop (erf)  }
0x180: {  	v21 =	vsub.f32 v21, v23;
	v28 =	vmax.f32 v4, v22;
	v29 =	vmin.f32 v2, v24;
	v23 =	vpop (erf)  }
0x181: {  	v24 =	vsub.f32 v34, v17;
	v22 =	vmul.f32 v26, v25;
	v26 =	vld [tilespmem:s22+$0xFFFFFFF0];
	v17 =	vmul.f32 v23, v30  }
0x182: {  	v9 =	vor.u32 s25, v1;
	v33 =	vmax.f32 v4, v33;
	v35 =	vmin.f32 v2, v35  }
0x183: {  	s13 =	smov.u32 @p1 s15;
	v36 =	vmax.f32 v5, v36;
	v27 =	vmin.f32 v3, v27;
	v25 =	vld [tilespmem:s22+$0x0];
	vm5 =	vgt.f32 v22, $5.000000000e-01  }
0x184: {  	s12 =	smov.u32 @p1 s16;
	s15 =	smov.u32 @p1 s18;
	s16 =	smov.u32 @p1 s17;
	v30 =	vsub.f32 v27, v36;
	v27 =	vsub.f32 v35, v33;
	v23 =	vld [tilespmem:s22+$0x10];
	v63 =	vpop (erf);
	v31 =	vsel vm5, $0xFF800000, v31  }
0x185: {  	s17 =	simm.s32 $0x4;
	s18 =	simm.s32 $0xB0;
	v22 =	vld [tilespmem:s24+$0x10];
	s24 =	simm.s32 $0x145A0;
	v32 =	vmul.f32 v63, v32;
	vm6 =	vgt.f32 v17, $5.000000000e-01;
	[tilespmem:s22+$0xFFFFFFE0] =	vst v31;
	vm5 =	vgt.f32 v31, v8;
	v17 =	vmovc v0  }
.LBB2_6:
0x186: {  	s25 =	sadd.s32 s18, s1;
	v33 =	vld [tilespmem:s24+$0x0];
	v8 =	vsel vm5, v31, v8;
	v17 =	vsel vm5, v18, v17;
	v18 =	vsel vm6, $0xFF800000, v26;
	v26 =	vpop (erf)  }
0x187: {  	s28 =	sand.u32 $0x70, s18;
	v31 =	vld [tilespmem:s24+$0xFFFFFFF0];
	s26 =	sand.u32 $0xFF80, s25;
	[tilespmem:s22+$0xFFFFFFF0] =	vst v18;
	vm5 =	vgt.f32 v18, v8;
	vm6 =	vgt.f32 v32, $5.000000000e-01;
	v11 =	vmul.f32 v26, v11  }
0x188: {  	v26 =	vld [tilespmem:s24+$0xFFFFFFE0];
	s28 =	sor.u32 s28, s26;
	v8 =	vsel vm5, v18, v8;
	v13 =	vsel vm5, v13, v17;
	v17 =	vsel vm6, $0xFF800000, v25  }
0x189: {  	v18 =	vsub.f32 v29, v28;
	v25 =	vld [tilespmem:s28+$0x0];
	[tilespmem:s22+$0x0] =	vst v17;
	vm5 =	vgt.f32 v17, v8;
	vm6 =	vgt.f32 v11, $5.000000000e-01  }
0x18a: {  	s29 =	sadd.s32 $0xFFFFFFF0, s18;
	s26 =	sadd.s32 $0xFFFFFFF0, s25;
	v28 =	vld [tilespmem:s28+$0x5000];
	v8 =	vsel vm5, v17, v8;
	v9 =	vsel vm5, v9, v13;
	v11 =	vsel vm6, $0xFF800000, v23  }
0x18b: {  	s29 =	sand.u32 $0x60, s29;
	s30 =	sand.u32 $0xFF80, s26;
	v13 =	vmax.f32 v30, $0.0e+00;
	v17 =	vmax.f32 v18, $0.0e+00;
	v23 =	vld [tilespmem:s28+$0xA000];
	[tilespmem:s22+$0x10] =	vst v11;
	vm5 =	vgt.f32 v11, v8  }
0x18c: {  	s29 =	sor.u32 s29, s30;
	v30 =	vmul.f32 v17, v13;
	v29 =	vld [tilespmem:s28+$0xF000];
	v8 =	vsel vm5, v11, v8;
	v17 =	vsel vm5, v7, v9  }
0x18d: {  	v7 =	vmax.f32 v24, $0.0e+00;
	v9 =	vmax.f32 v27, $0.0e+00;
	v11 =	vsub.f32 v20, v19;
	v32 =	vld [tilespmem:s29+$0x0]  }
0x18e: {  	s30 =	sadd.s32 $0xFFFFFFE0, s25;
	s28 =	sadd.s32 $0xFFFFFFE0, s18;
	v13 =	vsub.f32 v14, v30;
	v27 =	vmul.f32 v9, v7;
	v7 =	vmax.f32 v15, $0.0e+00;
	v19 =	vld [tilespmem:s29+$0x5000]  }
0x18f: {  	s31 =	sand.u32 $0xFF80, s30;
	s28 =	sand.u32 $0x50, s28;
	v9 =	vmax.f32 v21, $0.0e+00;
	v14 =	vmax.f32 v16, $0.0e+00;
	v11 =	vmax.f32 v11, $0.0e+00;
	v20 =	vld [tilespmem:s29+$0xA000]  }
0x190: {  	s28 =	sor.u32 s28, s31;
	v13 =	vadd.f32 $9.999999710e-10, v13;
	v12 =	vsub.f32 v12, v27;
	v34 =	vmul.f32 v11, v9;
	v21 =	vld [tilespmem:s29+$0xF000]  }
0x191: {  	v11 =	vmul.f32 v14, v7;
	v14 =	vadd.f32 v22, v6;
	v24 =	vld [tilespmem:s28+$0x0]  }
0x192: {  	s31 =	sadd.s32 $0xFFFFFFD0, s25;
	s29 =	sadd.s32 $0xFFFFFFD0, s18;
	v12 =	vadd.f32 $9.999999710e-10, v12;
	v10 =	vsub.f32 v10, v34;
	v22 =	vld [tilespmem:s28+$0x5000];
	(erf) = vrcp.f32 v13  }
0x193: {  	s0 =	sand.u32 $0xFF80, s31;
	v9 =	vor.u32 s20, v1;
	v7 =	vor.u32 s19, v1;
	s19 =	smov.u32 s25;
	s29 =	sand.u32 $0x40, s29;
	v13 =	vor.u32 s21, v1;
	v35 =	vld [tilespmem:s28+$0xA000]  }
0x194: {  	s20 =	smov.u32 s26;
	v16 =	vsub.f32 v14, v11;
	s0 =	sor.u32 s29, s0;
	s21 =	smov.u32 s30;
	v15 =	vadd.f32 $9.999999710e-10, v10;
	v36 =	vld [tilespmem:s28+$0xF000];
	(erf) = vrcp.f32 v12  }
0x195: {  	v18 =	vor.u32 s23, v1;
	s23 =	smov.u32 s31;
	v10 =	vadd.f32 v33, v6;
	v12 =	vadd.f32 v31, v6;
	v37 =	vld [tilespmem:s0+$0x0]  }
0x196: {  	v14 =	vadd.f32 v26, v6;
	v16 =	vadd.f32 $9.999999710e-10, v16;
	v31 =	vld [tilespmem:s0+$0x5000];
	(erf) = vrcp.f32 v15  }
0x197: {  	v23 =	vmin.f32 v3, v23;
	v15 =	vmax.f32 v5, v25;
	v25 =	vmax.f32 v4, v28;
	v33 =	vld [tilespmem:s0+$0xA000]  }
0x198: {  	v26 =	vmin.f32 v2, v29;
	v15 =	vsub.f32 v23, v15;
	v38 =	vld [tilespmem:s0+$0xF000];
	(erf) = vrcp.f32 v16  }
0x199: {  	s22 =	sadd.s32 $0x40, s22;
	v19 =	vmax.f32 v4, v19;
	v23 =	vmax.f32 v5, v32;
	v16 =	vsub.f32 v26, v25  }
0x19a: {  	s17 =	sadd.s32 $0x4, s17;
	v24 =	vmax.f32 v5, v24;
	v25 =	vmin.f32 v3, v20;
	v20 =	vmin.f32 v2, v21;
	v32 =	vld [tilespmem:s22+$0xFFFFFFE0]  }
0x19b: {  	p1 =	slt.u32 s17, $0x4C;
	v22 =	vmax.f32 v4, v22;
	v35 =	vmin.f32 v3, v35;
	v36 =	vmin.f32 v2, v36;
	v21 =	vpop (erf)  }
.Ltmp2:
0x19c: {  	v37 =	vmax.f32 v5, v37;
	v28 =	vmax.f32 v4, v31;
	v30 =	vmul.f32 v21, v30;
	v26 =	vld [tilespmem:s22+$0xFFFFFFF0];
	(pc) =	sbr.rel @p1 .LBB2_6-.Ltmp2, $4  }
0x19d: {  	v31 =	vmin.f32 v3, v33;
	v21 =	vsub.f32 v25, v23;
	v29 =	vmin.f32 v2, v38;
	v23 =	vpop (erf)  }
0x19e: {  	v24 =	vsub.f32 v35, v24;
	vm5 =	vgt.f32 v30, $5.000000000e-01;
	v33 =	vmul.f32 v23, v27;
	v25 =	vld [tilespmem:s22+$0x0]  }
0x19f: {  	v30 =	vsub.f32 v31, v37;
	v27 =	vsub.f32 v36, v22;
	v31 =	vsel vm5, $0xFF800000, v32;
	v23 =	vld [tilespmem:s22+$0x10];
	v32 =	vpop (erf)  }
0x1a0: {  	s18 =	sadd.s32 $0x40, s18;
	v22 =	vld [tilespmem:s24+$0x10];
	s24 =	sadd.s32 $0x40, s24;
	[tilespmem:s22+$0xFFFFFFE0] =	vst v31;
	vm5 =	vgt.f32 v31, v8;
	vm6 =	vgt.f32 v33, $5.000000000e-01;
	v32 =	vmul.f32 v32, v34  }
0x1a1: {  	v2 =	vsub.f32 v29, v28;
	_ =	sdelay $0x1  }
0x1a2: {  	v3 =	vmax.f32 v30, $0.0e+00;
	v2 =	vmax.f32 v2, $0.0e+00  }
0x1a3: {  	v5 =	vsub.f32 v20, v19;
	v2 =	vmul.f32 v2, v3  }
0x1a4: {  	v4 =	vmax.f32 v27, $0.0e+00;
	v47 =	vmax.f32 v21, $0.0e+00;
	v3 =	vmax.f32 v24, $0.0e+00  }
0x1a5: {  	v5 =	vmax.f32 v5, $0.0e+00;
	v3 =	vmul.f32 v4, v3;
	v14 =	vsub.f32 v14, v2  }
0x1a6: {  	v16 =	vmax.f32 v16, $0.0e+00;
	v5 =	vmul.f32 v5, v47  }
0x1a7: {  	v4 =	vmax.f32 v15, $0.0e+00;
	v12 =	vsub.f32 v12, v3;
	v14 =	vadd.f32 $9.999999710e-10, v14  }
0x1a8: {  	v6 =	vadd.f32 v22, v6;
	v4 =	vmul.f32 v16, v4  }
0x1a9: {  	v10 =	vsub.f32 v10, v5;
	v12 =	vadd.f32 $9.999999710e-10, v12;
	(erf) = vrcp.f32 v14;
	_ =	sdelay $0x1  }
0x1aa: {  	v10 =	vadd.f32 $9.999999710e-10, v10;
	v6 =	vsub.f32 v6, v4;
	(erf) = vrcp.f32 v12;
	_ =	sdelay $0x1  }
0x1ab: {  	v6 =	vadd.f32 $9.999999710e-10, v6;
	(erf) = vrcp.f32 v10;
	_ =	sdelay $0x1  }
0x1ac: {  	v8 =	vsel vm5, v31, v8;
	(erf) = vrcp.f32 v6  }
0x1ad: {  	v48 =	vpop (erf);
	v49 =	vsel vm5, v18, v17;
	v50 =	vsel vm6, $0xFF800000, v26;
	v51 =	vor.u32 s23, v1;
	s0 =	sadd.s32 $0x40, s22  }
0x1ae: {  	vm5 =	vgt.f32 v50, v8;
	vm6 =	vgt.f32 v32, $5.000000000e-01;
	v52 =	vld [tilespmem:s0+$0xFFFFFFE0];
	v6 =	vmul.f32 v48, v11  }
0x1af: {  	v8 =	vsel vm5, v50, v8;
	v53 =	vsel vm6, $0xFF800000, v25;
	v10 =	vsel vm5, v13, v49;
	v54 =	vpop (erf)  }
0x1b0: {  	v55 =	vld [tilespmem:s0+$0xFFFFFFF0];
	vm5 =	vgt.f32 v53, v8;
	vm6 =	vgt.f32 v6, $5.000000000e-01;
	v2 =	vmul.f32 v54, v2  }
0x1b1: {  	v8 =	vsel vm5, v53, v8;
	v9 =	vsel vm5, v9, v10;
	v56 =	vsel vm6, $0xFF800000, v23;
	v57 =	vpop (erf)  }
0x1b2: {  	vm5 =	vgt.f32 v56, v8;
	vm6 =	vgt.f32 v2, $5.000000000e-01;
	v2 =	vmul.f32 v57, v3;
	v3 =	vld [tilespmem:s0+$0x0]  }
0x1b3: {  	v8 =	vsel vm5, v56, v8;
	v7 =	vsel vm5, v7, v9;
	v59 =	vpop (erf);
	v58 =	vsel vm6, $0xFF800000, v52  }
0x1b4: {  	v60 =	vld [tilespmem:s0+$0x10];
	vm5 =	vgt.f32 v58, v8;
	vm6 =	vgt.f32 v2, $5.000000000e-01;
	v2 =	vmul.f32 v59, v5  }
0x1b5: {  	s14 =	sadd.s32 $0x1, s14;
	[tilespmem:s22+$0xFFFFFFF0] =	vst v50;
	v61 =	vpop (erf);
	v5 =	vsel vm5, v58, v8;
	v7 =	vsel vm5, v51, v7;
	v6 =	vsel vm6, $0xFF800000, v55  }
0x1b6: {  	p1 =	sne.s32 s14, $0x64;
	[tilespmem:s22+$0x0] =	vst v53;
	vm5 =	vgt.f32 v6, v5;
	vm6 =	vgt.f32 v2, $5.000000000e-01;
	v2 =	vmul.f32 v61, v4  }
.Ltmp3:
0x1b7: {  	[tilespmem:s22+$0x10] =	vst v56;
	v4 =	vor.u32 s21, v1;
	v5 =	vsel vm5, v6, v5;
	v3 =	vsel vm6, $0xFF800000, v3;
	(pc) =	sbr.rel @p1 .LBB2_3-.Ltmp3, $4  }
0x1b8: {  	[tilespmem:s0+$0xFFFFFFE0] =	vst v58;
	v4 =	vsel vm5, v4, v7;
	vm5 =	vgt.f32 v3, v5;
	vm6 =	vgt.f32 v2, $5.000000000e-01  }
0x1b9: {  	[tilespmem:s0+$0xFFFFFFF0] =	vst v6;
	v2 =	vor.u32 s20, v1;
	v5 =	vsel vm5, v3, v5;
	v62 =	vsel vm6, $0xFF800000, v60  }
0x1ba: {  	v63 =	vor.u32 s19, v1;
	[tilespmem:s0+$0x0] =	vst v3;
	v3 =	vsel vm5, v2, v4;
	vm5 =	vgt.f32 v62, v5  }
0x1bb: {  	s17 =	smov.u32 s16;
	s18 =	smov.u32 s15;
	[tilespmem:s0+$0x10] =	vst v62;
	v2 =	vsel vm5, v62, v5;
	v3 =	vsel vm5, v63, v3  }
0x1bc: {  	_ =	sfence.sel @p0 $0x180000  }
0x1bd: {  	[bflag:$0x0] =	sbarrier.arrive @p0 $0xFFFF  }
0x1be: {  	_ =	strace @p0 $0x90000047  }
0x1bf: {  	s0 =	simm.s32 @!p0 $0x0;
	s1 =	simm.s32 @!p0 $0x14A00;
	[bflag:$0x2] =	sbarrier.arrive @p0 $0xFFFF  }
0x1c0: {  	[hbm4b:s2+s0] =	stream.linear.scatter @!p0 [tilespmem:s1], [sflag:$0x1], $0x680, $0x38;
	[tilespmem:$0x15080] =	vst v63  }
0x1c1: {  	s0 =	simm.s32 @!p0 $0x1  }
0x1c2: {  	_ =	swait.ge @!p0 [sflag:s0], $0x680  }
0x1c3: {  	[sflag:s0] =	ssyncset.done @!p0 $0x0  }
0x1c4: {  	[sflag:s0] =	ssyncadd.s32 @!p0 $0xFFFFF980  }
0x1c5: {  	_ =	sfence.sel @!p0 $0x180000  }
0x1c6: {  	[bflag:$0x0] =	sbarrier.arrive @!p0 $0xFFFF  }
0x1c7: {  	_ =	strace @!p0 $0x90000047  }
0x1c8: {  	[bflag:$0x2] =	sbarrier.arrive @!p0 $0xFFFF  }
0x1c9: {  	s0 =	rddreg [dreg:$0x1]  }
0x1ca: {  	s0 =	sadd.s32 @!p0 $0x100000, s0  }
0x1cb: {  	[sflag:s0] =	ssyncadd.tile.s32 @!p0 $0x1;
	_ =	shalt  }
.Lfunc_end2:
_tile_overlayer_lowered:
.L_overlay_start_2:
0x1cc: {  	(tag) =	ssettag $0x2  }
0x1cd: {  	s0 =	rddreg [dreg:$0x0];
	s2 =	stileid.u32  }
0x1ce: {  	s1 =	rddreg [dreg:$0x1];
	p0 =	sne.s32 s2, $0x0  }
0x1cf: {  	s3 =	rddreg [dreg:$0x2];
	[bflag:$0x3] =	sbarrier.arrive $0xFFFF;
	s2 =	simm.s32 @!p0 $0x1C01  }
0x1d0: {  	[timem:s3], [sflag:s2] =	dma.local @!p0 [hbm:s0], s1  }
0x1d1: {  	s0 =	simm.s32 @!p0 $0x1  }
0x1d2: {  	_ =	swait.ge @!p0 [sflag:s0], s1  }
0x1d3: {  	s1 =	ssub.s32 @!p0 $0x0, s1;
	[sflag:s0] =	ssyncset.done @!p0 $0x0  }
0x1d4: {  	[sflag:s0] =	ssyncadd.s32 @!p0 s1  }
0x1d5: {  	[bflag:$0x3] =	sbarrier.arrive $0xFFFF  }
0x1d6: {  	_ =	shalt  }

</sc_bundles>
